<compile_context>
chip_gen: v7x
topology: tpu7x:2x2x1
jax: 0.10.2.dev20260603
libtpu: 0.0.44.dev20260713+nightly
codegen_flags: <defaults>
</compile_context>

<pallas_src>
import functools
import jax
import jax.numpy as jnp
from jax import lax
from jax.experimental import pallas as pl
from jax.experimental.pallas import tpu as pltpu
from jax.experimental.pallas import tpu_sc as plsc

R = 2048
N = 32768
NW = 32
L = 16
STEPS = N // L
R_SC = 768


ACC = 4


def _row_argmax(buf):
    iota = lax.broadcasted_iota(jnp.int32, (L,), 0)

    def body(j, carry):
        ms, idxs, curs = carry
        base = j * (L * ACC)
        new_ms, new_idxs, new_curs = [], [], []
        for a in range(ACC):
            v = buf[pl.ds(base + a * L, L)]
            pred = v > ms[a]
            new_ms.append(jnp.where(pred, v, ms[a]))
            new_idxs.append(jnp.where(pred, curs[a], idxs[a]))
            new_curs.append(curs[a] + L * ACC)
        return tuple(new_ms), tuple(new_idxs), tuple(new_curs)

    m0 = jnp.full((L,), -jnp.inf, jnp.float32)
    init = (
        (m0,) * ACC,
        (iota * 0,) * ACC,
        tuple(iota + a * L for a in range(ACC)),
    )
    ms, idxs, _ = lax.fori_loop(0, STEPS // ACC, body, init, unroll=4)
    mall = ms[0]
    for a in range(1, ACC):
        mall = jnp.maximum(mall, ms[a])
    M = jnp.max(mall)
    big = jnp.int32(2**30)
    best = jnp.full((L,), big, jnp.int32)
    for a in range(ACC):
        best = jnp.minimum(best, jnp.where(ms[a] == M, idxs[a], big))
    return jnp.min(best)


def _insert(rvec, lane, val):
    iota = lax.broadcasted_iota(jnp.int32, (L,), 0)
    return jnp.where(iota == lane, val, rvec)


def _make_sc_argmax(rows):
    rpw = rows // NW
    res_n = ((rpw + L - 1) // L) * L
    mesh = plsc.VectorSubcoreMesh(core_axis_name="c", subcore_axis_name="s")

    @functools.partial(
        pl.kernel,
        mesh=mesh,
        compiler_params=pltpu.CompilerParams(needs_layout_passes=False),
        out_type=jax.ShapeDtypeStruct((rows,), jnp.int32),
        scratch_types=[
            pltpu.VMEM((N,), jnp.float32),
            pltpu.VMEM((N,), jnp.float32),
            pltpu.VMEM((res_n,), jnp.int32),
            pltpu.SemaphoreType.DMA,
            pltpu.SemaphoreType.DMA,
        ],
    )
    def sc_argmax(x_hbm, out_hbm, buf_a, buf_b, res, sem_a, sem_b):
        wid = lax.axis_index("s") * 2 + lax.axis_index("c")
        base = wid * rpw

        pltpu.async_copy(x_hbm.at[base], buf_a, sem_a)
        pltpu.async_copy(x_hbm.at[base + 1], buf_b, sem_b)

        def pair(g, rvec):
            r0 = 2 * g
            pltpu.make_async_copy(x_hbm.at[base], buf_a, sem_a).wait()
            i0 = _row_argmax(buf_a)
            pltpu.async_copy(x_hbm.at[base + r0 + 2], buf_a, sem_a)
            rvec = _insert(rvec, r0 & (L - 1), i0)
            pltpu.make_async_copy(x_hbm.at[base], buf_b, sem_b).wait()
            i1 = _row_argmax(buf_b)
            pltpu.async_copy(x_hbm.at[base + r0 + 3], buf_b, sem_b)
            rvec = _insert(rvec, (r0 + 1) & (L - 1), i1)

            @pl.when((g & 7) == 7)
            def _flush():
                res[pl.ds((g // 8) * L, L)] = rvec

            return rvec

        rvec = jnp.zeros((L,), jnp.int32)
        rvec = lax.fori_loop(0, rpw // 2 - 1, pair, rvec)
        pltpu.make_async_copy(x_hbm.at[base], buf_a, sem_a).wait()
        rvec = _insert(rvec, (rpw - 2) & (L - 1), _row_argmax(buf_a))
        pltpu.make_async_copy(x_hbm.at[base], buf_b, sem_b).wait()
        rvec = _insert(rvec, (rpw - 1) & (L - 1), _row_argmax(buf_b))
        res[pl.ds(((rpw - 1) // L) * L, L)] = rvec

        pltpu.sync_copy(res.at[pl.ds(0, rpw)], out_hbm.at[pl.ds(base, rpw)])

    return sc_argmax


TC_BB = 2


def _tc_body(x_ref, o_ref):
    xb = x_ref[...].reshape(TC_BB * 32, -1)
    m = jnp.max(xb, axis=-1, keepdims=True)
    iota = lax.broadcasted_iota(jnp.int32, xb.shape, 1)
    big = jnp.int32(jnp.iinfo(jnp.int32).max)
    idx = jnp.min(jnp.where(xb == m, iota, big), axis=-1)
    o_ref[...] = idx.reshape(TC_BB, 1, 32)


def _tc_argmax_tail(x3, skip):
    b, h, n = x3.shape
    nb = (b - skip) // TC_BB
    out = pl.pallas_call(
        _tc_body,
        grid=(nb,),
        in_specs=[pl.BlockSpec((TC_BB, h, n), lambda i: (i + skip // TC_BB, 0, 0))],
        out_specs=pl.BlockSpec((TC_BB, 1, h), lambda i: (i, 0, 0)),
        out_shape=jax.ShapeDtypeStruct((b - skip, 1, h), jnp.int32),
    )(x3)
    return out.reshape((b - skip) * h)


def kernel(x):
    B, H, n = x.shape
    flat = x.reshape(R, N)
    sc_out = _make_sc_argmax(R_SC)(flat)
    tc_out = _tc_argmax_tail(x, R_SC // 32)
    out = jnp.concatenate([sc_out, tc_out])
    return out.reshape(B, H).astype(jnp.int64)

# --- scband reference (transcript-rebuilt; emitter-appended) ---
"""Pipeline reference for scband-model-new-4810363371644 (READ-ONLY COPY).

The authoritative reference and input builder live on the scoring server;
editing this copy changes nothing except your own understanding.
"""

import jax, jax.numpy as jnp
import numpy as np

DIM = 2

def setup_inputs(seed: int = 0) -> dict:
    key = jax.random.key(seed)
    x = jax.random.normal(key, (64, 32, 32768), dtype=jnp.float32)
    return {"x": x}

def reference(x) -> jnp.ndarray:
    # Faithful translation of the custom CUDA argmax kernel: for each output
    # position, scan along `DIM` and return the index of the maximum value
    # (first occurrence wins on ties, matching the strict '>' comparison).
    return jnp.argmax(x, axis=DIM).astype(jnp.int64)

if __name__ == "__main__":
    import jax
    _d = setup_inputs()
    print(jax.jit(kernel)(*tuple(_d.values())))

</pallas_src>

<mosaic_0001>
#map = affine_map<(d0, d1) -> (0, 0)>
#map1 = affine_map<(d0, d1) -> (0)>
module attributes {stable_mosaic.version = 14 : i64} {
  func.func @sc_argmax(%arg0: i32, %arg1: i32, %arg2: memref<2048x32768xf32, #tpu.memory_space<hbm>>, %arg3: memref<768xi32, #tpu.memory_space<hbm>>, %arg4: memref<32768xf32, #tpu.memory_space<vmem>>, %arg5: memref<32768xf32, #tpu.memory_space<vmem>>, %arg6: memref<32xi32, #tpu.memory_space<vmem>>, %arg7: memref<!tpu.dma_semaphore, #tpu.memory_space<semaphore_mem>>, %arg8: memref<!tpu.dma_semaphore, #tpu.memory_space<semaphore_mem>>) attributes {dimension_semantics = [#tpu.dimension_semantics<core_parallel>, #tpu.dimension_semantics<subcore_parallel>], iteration_bounds = array<i64: 2, 16>, scalar_prefetch = 0 : i64, scratch_operands = 5 : i64, tpu.core_type = #tpu.core_type<sc_vector_subcore>, window_params = [{transform_indices = #map}, {transform_indices = #map1}]} {
    %mul3A = arith.constant 2 : i32
    %mul3A_0 = arith.muli %arg1, %mul3A : i32
    %add3A = arith.addi %mul3A_0, %arg0 : i32
    %mul3A_1 = arith.constant 24 : i32
    %mul3A_2 = arith.muli %add3A, %mul3A_1 : i32
    %dma_start3A = arith.constant 0 : i32
    %dma_start3A_3 = tpu.memref_slice %arg2[%mul3A_2, %dma_start3A] : memref<2048x32768xf32, #tpu.memory_space<hbm>> -> memref<1x32768xf32, #tpu.memory_space<hbm>>
    %dma_start3A_4 = tpu.memref_squeeze %dma_start3A_3 : memref<1x32768xf32, #tpu.memory_space<hbm>> -> memref<32768xf32, #tpu.memory_space<hbm>>
    %dma_start3A_5 = arith.constant 0 : i32
    %dma_start3A_6 = tpu.memref_slice %arg2[%mul3A_2, %dma_start3A_5] : memref<2048x32768xf32, #tpu.memory_space<hbm>> -> memref<1x32768xf32, #tpu.memory_space<hbm>>
    %dma_start3A_7 = tpu.memref_squeeze %dma_start3A_6 : memref<1x32768xf32, #tpu.memory_space<hbm>> -> memref<32768xf32, #tpu.memory_space<hbm>>
    tpu.enqueue_dma source(%dma_start3A_7 : memref<32768xf32, #tpu.memory_space<hbm>>) target(%arg4 : memref<32768xf32, #tpu.memory_space<vmem>>) target_semaphore(%arg7 : memref<!tpu.dma_semaphore, #tpu.memory_space<semaphore_mem>>)
    %add3A_8 = arith.constant 1 : i32
    %add3A_9 = arith.addi %mul3A_2, %add3A_8 : i32
    %dma_start3A_10 = arith.constant 0 : i32
    %dma_start3A_11 = tpu.memref_slice %arg2[%add3A_9, %dma_start3A_10] : memref<2048x32768xf32, #tpu.memory_space<hbm>> -> memref<1x32768xf32, #tpu.memory_space<hbm>>
    %dma_start3A_12 = tpu.memref_squeeze %dma_start3A_11 : memref<1x32768xf32, #tpu.memory_space<hbm>> -> memref<32768xf32, #tpu.memory_space<hbm>>
    %dma_start3A_13 = arith.constant 0 : i32
    %dma_start3A_14 = tpu.memref_slice %arg2[%add3A_9, %dma_start3A_13] : memref<2048x32768xf32, #tpu.memory_space<hbm>> -> memref<1x32768xf32, #tpu.memory_space<hbm>>
    %dma_start3A_15 = tpu.memref_squeeze %dma_start3A_14 : memref<1x32768xf32, #tpu.memory_space<hbm>> -> memref<32768xf32, #tpu.memory_space<hbm>>
    tpu.enqueue_dma source(%dma_start3A_15 : memref<32768xf32, #tpu.memory_space<hbm>>) target(%arg5 : memref<32768xf32, #tpu.memory_space<vmem>>) target_semaphore(%arg8 : memref<!tpu.dma_semaphore, #tpu.memory_space<semaphore_mem>>)
    %broadcast_in_dim3A = arith.constant 0 : i32
    %broadcast_in_dim3A_16 = vector.broadcast %broadcast_in_dim3A : i32 to vector<16xi32>
    %scan3A = arith.constant 0 : i32
    %scan3A_17 = arith.constant 11 : i32
    %scan3A_18 = arith.addi %scan3A, %scan3A_17 : i32
    %scan3A_19 = arith.constant 1 : i32
    %scan3A_20 = scf.for %scan3A_168 = %scan3A to %scan3A_18 step %scan3A_19 iter_args(%scan3A_169 = %broadcast_in_dim3A_16) -> (vector<16xi32>)  : i32 {
      %mul3A_170 = arith.constant 2 : i32
      %mul3A_171 = arith.muli %mul3A_170, %scan3A_168 : i32
      %dma_wait3A_172 = arith.constant 0 : i32
      %dma_wait3A_173 = tpu.memref_slice %arg2[%mul3A_2, %dma_wait3A_172] : memref<2048x32768xf32, #tpu.memory_space<hbm>> -> memref<1x32768xf32, #tpu.memory_space<hbm>>
      %dma_wait3A_174 = tpu.memref_squeeze %dma_wait3A_173 : memref<1x32768xf32, #tpu.memory_space<hbm>> -> memref<32768xf32, #tpu.memory_space<hbm>>
      %dma_wait3A_175 = arith.constant 0 : i32
      %dma_wait3A_176 = tpu.memref_slice %arg2[%mul3A_2, %dma_wait3A_175] : memref<2048x32768xf32, #tpu.memory_space<hbm>> -> memref<1x32768xf32, #tpu.memory_space<hbm>>
      %dma_wait3A_177 = tpu.memref_squeeze %dma_wait3A_176 : memref<1x32768xf32, #tpu.memory_space<hbm>> -> memref<32768xf32, #tpu.memory_space<hbm>>
      tpu.wait_dma2 semaphore(%arg7 : memref<!tpu.dma_semaphore, #tpu.memory_space<semaphore_mem>>) src(%dma_wait3A_177 : memref<32768xf32, #tpu.memory_space<hbm>>) dst(%arg4 : memref<32768xf32, #tpu.memory_space<vmem>>)
      %iota3A_178 = tpu.iota {dimensions = array<i32: 0>} : vector<16xi32>
      %broadcast_in_dim3A_179 = arith.constant 0xFF800000 : f32
      %broadcast_in_dim3A_180 = vector.broadcast %broadcast_in_dim3A_179 : f32 to vector<16xf32>
      %mul3A_181 = arith.constant 0 : i32
      %mul3A_182 = vector.broadcast %mul3A_181 : i32 to vector<16xi32>
      %mul3A_183 = arith.muli %iota3A_178, %mul3A_182 : vector<16xi32>
      %add3A_184 = arith.constant 0 : i32
      %add3A_185 = vector.broadcast %add3A_184 : i32 to vector<16xi32>
      %add3A_186 = arith.addi %iota3A_178, %add3A_185 : vector<16xi32>
      %add3A_187 = arith.constant 16 : i32
      %add3A_188 = vector.broadcast %add3A_187 : i32 to vector<16xi32>
      %add3A_189 = arith.addi %iota3A_178, %add3A_188 : vector<16xi32>
      %add3A_190 = arith.constant 32 : i32
      %add3A_191 = vector.broadcast %add3A_190 : i32 to vector<16xi32>
      %add3A_192 = arith.addi %iota3A_178, %add3A_191 : vector<16xi32>
      %add3A_193 = arith.constant 48 : i32
      %add3A_194 = vector.broadcast %add3A_193 : i32 to vector<16xi32>
      %add3A_195 = arith.addi %iota3A_178, %add3A_194 : vector<16xi32>
      %scan3A_196 = arith.constant 0 : i32
      %scan3A_197 = arith.constant 512 : i32
      %scan3A_198 = arith.addi %scan3A_196, %scan3A_197 : i32
      %scan3A_199 = arith.constant 4 : i32
      %scan3A_200:12 = scf.for %scan3A_352 = %scan3A_196 to %scan3A_198 step %scan3A_199 iter_args(%scan3A_353 = %broadcast_in_dim3A_180, %scan3A_354 = %broadcast_in_dim3A_180, %scan3A_355 = %broadcast_in_dim3A_180, %scan3A_356 = %broadcast_in_dim3A_180, %scan3A_357 = %mul3A_183, %scan3A_358 = %mul3A_183, %scan3A_359 = %mul3A_183, %scan3A_360 = %mul3A_183, %scan3A_361 = %add3A_186, %scan3A_362 = %add3A_189, %scan3A_363 = %add3A_192, %scan3A_364 = %add3A_195) -> (vector<16xf32>, vector<16xf32>, vector<16xf32>, vector<16xf32>, vector<16xi32>, vector<16xi32>, vector<16xi32>, vector<16xi32>, vector<16xi32>, vector<16xi32>, vector<16xi32>, vector<16xi32>)  : i32 {
        %mul3A_365 = arith.constant 64 : i32
        %mul3A_366 = arith.muli %scan3A_352, %mul3A_365 : i32
        %add3A_367 = arith.constant 0 : i32
        %add3A_368 = arith.addi %mul3A_366, %add3A_367 : i32
        %get3A = arith.index_cast %add3A_368 : i32 to index
        %get3A_369 = tpu.vector_load %arg4[%get3A] {strides = array<i32>} : memref<32768xf32, #tpu.memory_space<vmem>>, vector<16xf32>,
        %gt3A = arith.cmpf ogt, %get3A_369, %scan3A_353 : vector<16xf32>
        %select_n3A_370 = arith.select %gt3A, %get3A_369, %scan3A_353 : vector<16xi1>, vector<16xf32>
        %select_n3A_371 = arith.select %gt3A, %scan3A_361, %scan3A_357 : vector<16xi1>, vector<16xi32>
        %add3A_372 = arith.constant 64 : i32
        %add3A_373 = vector.broadcast %add3A_372 : i32 to vector<16xi32>
        %add3A_374 = arith.addi %scan3A_361, %add3A_373 : vector<16xi32>
        %add3A_375 = arith.constant 16 : i32
        %add3A_376 = arith.addi %mul3A_366, %add3A_375 : i32
        %get3A_377 = arith.index_cast %add3A_376 : i32 to index
        %get3A_378 = tpu.vector_load %arg4[%get3A_377] {strides = array<i32>} : memref<32768xf32, #tpu.memory_space<vmem>>, vector<16xf32>,
        %gt3A_379 = arith.cmpf ogt, %get3A_378, %scan3A_354 : vector<16xf32>
        %select_n3A_380 = arith.select %gt3A_379, %get3A_378, %scan3A_354 : vector<16xi1>, vector<16xf32>
        %select_n3A_381 = arith.select %gt3A_379, %scan3A_362, %scan3A_358 : vector<16xi1>, vector<16xi32>
        %add3A_382 = arith.constant 64 : i32
        %add3A_383 = vector.broadcast %add3A_382 : i32 to vector<16xi32>
        %add3A_384 = arith.addi %scan3A_362, %add3A_383 : vector<16xi32>
        %add3A_385 = arith.constant 32 : i32
        %add3A_386 = arith.addi %mul3A_366, %add3A_385 : i32
        %get3A_387 = arith.index_cast %add3A_386 : i32 to index
        %get3A_388 = tpu.vector_load %arg4[%get3A_387] {strides = array<i32>} : memref<32768xf32, #tpu.memory_space<vmem>>, vector<16xf32>,
        %gt3A_389 = arith.cmpf ogt, %get3A_388, %scan3A_355 : vector<16xf32>
        %select_n3A_390 = arith.select %gt3A_389, %get3A_388, %scan3A_355 : vector<16xi1>, vector<16xf32>
        %select_n3A_391 = arith.select %gt3A_389, %scan3A_363, %scan3A_359 : vector<16xi1>, vector<16xi32>
        %add3A_392 = arith.constant 64 : i32
        %add3A_393 = vector.broadcast %add3A_392 : i32 to vector<16xi32>
        %add3A_394 = arith.addi %scan3A_363, %add3A_393 : vector<16xi32>
        %add3A_395 = arith.constant 48 : i32
        %add3A_396 = arith.addi %mul3A_366, %add3A_395 : i32
        %get3A_397 = arith.index_cast %add3A_396 : i32 to index
        %get3A_398 = tpu.vector_load %arg4[%get3A_397] {strides = array<i32>} : memref<32768xf32, #tpu.memory_space<vmem>>, vector<16xf32>,
        %gt3A_399 = arith.cmpf ogt, %get3A_398, %scan3A_356 : vector<16xf32>
        %select_n3A_400 = arith.select %gt3A_399, %get3A_398, %scan3A_356 : vector<16xi1>, vector<16xf32>
        %select_n3A_401 = arith.select %gt3A_399, %scan3A_364, %scan3A_360 : vector<16xi1>, vector<16xi32>
        %add3A_402 = arith.constant 64 : i32
        %add3A_403 = vector.broadcast %add3A_402 : i32 to vector<16xi32>
        %add3A_404 = arith.addi %scan3A_364, %add3A_403 : vector<16xi32>
        %scan3A_405 = arith.constant 1 : i32
        %scan3A_406 = arith.addi %scan3A_352, %scan3A_405 : i32
        %mul3A_407 = arith.constant 64 : i32
        %mul3A_408 = arith.muli %scan3A_406, %mul3A_407 : i32
        %add3A_409 = arith.constant 0 : i32
        %add3A_410 = arith.addi %mul3A_408, %add3A_409 : i32
        %get3A_411 = arith.index_cast %add3A_410 : i32 to index
        %get3A_412 = tpu.vector_load %arg4[%get3A_411] {strides = array<i32>} : memref<32768xf32, #tpu.memory_space<vmem>>, vector<16xf32>,
        %gt3A_413 = arith.cmpf ogt, %get3A_412, %select_n3A_370 : vector<16xf32>
        %select_n3A_414 = arith.select %gt3A_413, %get3A_412, %select_n3A_370 : vector<16xi1>, vector<16xf32>
        %select_n3A_415 = arith.select %gt3A_413, %add3A_374, %select_n3A_371 : vector<16xi1>, vector<16xi32>
        %add3A_416 = arith.constant 64 : i32
        %add3A_417 = vector.broadcast %add3A_416 : i32 to vector<16xi32>
        %add3A_418 = arith.addi %add3A_374, %add3A_417 : vector<16xi32>
        %add3A_419 = arith.constant 16 : i32
        %add3A_420 = arith.addi %mul3A_408, %add3A_419 : i32
        %get3A_421 = arith.index_cast %add3A_420 : i32 to index
        %get3A_422 = tpu.vector_load %arg4[%get3A_421] {strides = array<i32>} : memref<32768xf32, #tpu.memory_space<vmem>>, vector<16xf32>,
        %gt3A_423 = arith.cmpf ogt, %get3A_422, %select_n3A_380 : vector<16xf32>
        %select_n3A_424 = arith.select %gt3A_423, %get3A_422, %select_n3A_380 : vector<16xi1>, vector<16xf32>
        %select_n3A_425 = arith.select %gt3A_423, %add3A_384, %select_n3A_381 : vector<16xi1>, vector<16xi32>
        %add3A_426 = arith.constant 64 : i32
        %add3A_427 = vector.broadcast %add3A_426 : i32 to vector<16xi32>
        %add3A_428 = arith.addi %add3A_384, %add3A_427 : vector<16xi32>
        %add3A_429 = arith.constant 32 : i32
        %add3A_430 = arith.addi %mul3A_408, %add3A_429 : i32
        %get3A_431 = arith.index_cast %add3A_430 : i32 to index
        %get3A_432 = tpu.vector_load %arg4[%get3A_431] {strides = array<i32>} : memref<32768xf32, #tpu.memory_space<vmem>>, vector<16xf32>,
        %gt3A_433 = arith.cmpf ogt, %get3A_432, %select_n3A_390 : vector<16xf32>
        %select_n3A_434 = arith.select %gt3A_433, %get3A_432, %select_n3A_390 : vector<16xi1>, vector<16xf32>
        %select_n3A_435 = arith.select %gt3A_433, %add3A_394, %select_n3A_391 : vector<16xi1>, vector<16xi32>
        %add3A_436 = arith.constant 64 : i32
        %add3A_437 = vector.broadcast %add3A_436 : i32 to vector<16xi32>
        %add3A_438 = arith.addi %add3A_394, %add3A_437 : vector<16xi32>
        %add3A_439 = arith.constant 48 : i32
        %add3A_440 = arith.addi %mul3A_408, %add3A_439 : i32
        %get3A_441 = arith.index_cast %add3A_440 : i32 to index
        %get3A_442 = tpu.vector_load %arg4[%get3A_441] {strides = array<i32>} : memref<32768xf32, #tpu.memory_space<vmem>>, vector<16xf32>,
        %gt3A_443 = arith.cmpf ogt, %get3A_442, %select_n3A_400 : vector<16xf32>
        %select_n3A_444 = arith.select %gt3A_443, %get3A_442, %select_n3A_400 : vector<16xi1>, vector<16xf32>
        %select_n3A_445 = arith.select %gt3A_443, %add3A_404, %select_n3A_401 : vector<16xi1>, vector<16xi32>
        %add3A_446 = arith.constant 64 : i32
        %add3A_447 = vector.broadcast %add3A_446 : i32 to vector<16xi32>
        %add3A_448 = arith.addi %add3A_404, %add3A_447 : vector<16xi32>
        %scan3A_449 = arith.constant 2 : i32
        %scan3A_450 = arith.addi %scan3A_352, %scan3A_449 : i32
        %mul3A_451 = arith.constant 64 : i32
        %mul3A_452 = arith.muli %scan3A_450, %mul3A_451 : i32
        %add3A_453 = arith.constant 0 : i32
        %add3A_454 = arith.addi %mul3A_452, %add3A_453 : i32
        %get3A_455 = arith.index_cast %add3A_454 : i32 to index
        %get3A_456 = tpu.vector_load %arg4[%get3A_455] {strides = array<i32>} : memref<32768xf32, #tpu.memory_space<vmem>>, vector<16xf32>,
        %gt3A_457 = arith.cmpf ogt, %get3A_456, %select_n3A_414 : vector<16xf32>
        %select_n3A_458 = arith.select %gt3A_457, %get3A_456, %select_n3A_414 : vector<16xi1>, vector<16xf32>
        %select_n3A_459 = arith.select %gt3A_457, %add3A_418, %select_n3A_415 : vector<16xi1>, vector<16xi32>
        %add3A_460 = arith.constant 64 : i32
        %add3A_461 = vector.broadcast %add3A_460 : i32 to vector<16xi32>
        %add3A_462 = arith.addi %add3A_418, %add3A_461 : vector<16xi32>
        %add3A_463 = arith.constant 16 : i32
        %add3A_464 = arith.addi %mul3A_452, %add3A_463 : i32
        %get3A_465 = arith.index_cast %add3A_464 : i32 to index
        %get3A_466 = tpu.vector_load %arg4[%get3A_465] {strides = array<i32>} : memref<32768xf32, #tpu.memory_space<vmem>>, vector<16xf32>,
        %gt3A_467 = arith.cmpf ogt, %get3A_466, %select_n3A_424 : vector<16xf32>
        %select_n3A_468 = arith.select %gt3A_467, %get3A_466, %select_n3A_424 : vector<16xi1>, vector<16xf32>
        %select_n3A_469 = arith.select %gt3A_467, %add3A_428, %select_n3A_425 : vector<16xi1>, vector<16xi32>
        %add3A_470 = arith.constant 64 : i32
        %add3A_471 = vector.broadcast %add3A_470 : i32 to vector<16xi32>
        %add3A_472 = arith.addi %add3A_428, %add3A_471 : vector<16xi32>
        %add3A_473 = arith.constant 32 : i32
        %add3A_474 = arith.addi %mul3A_452, %add3A_473 : i32
        %get3A_475 = arith.index_cast %add3A_474 : i32 to index
        %get3A_476 = tpu.vector_load %arg4[%get3A_475] {strides = array<i32>} : memref<32768xf32, #tpu.memory_space<vmem>>, vector<16xf32>,
        %gt3A_477 = arith.cmpf ogt, %get3A_476, %select_n3A_434 : vector<16xf32>
        %select_n3A_478 = arith.select %gt3A_477, %get3A_476, %select_n3A_434 : vector<16xi1>, vector<16xf32>
        %select_n3A_479 = arith.select %gt3A_477, %add3A_438, %select_n3A_435 : vector<16xi1>, vector<16xi32>
        %add3A_480 = arith.constant 64 : i32
        %add3A_481 = vector.broadcast %add3A_480 : i32 to vector<16xi32>
        %add3A_482 = arith.addi %add3A_438, %add3A_481 : vector<16xi32>
        %add3A_483 = arith.constant 48 : i32
        %add3A_484 = arith.addi %mul3A_452, %add3A_483 : i32
        %get3A_485 = arith.index_cast %add3A_484 : i32 to index
        %get3A_486 = tpu.vector_load %arg4[%get3A_485] {strides = array<i32>} : memref<32768xf32, #tpu.memory_space<vmem>>, vector<16xf32>,
        %gt3A_487 = arith.cmpf ogt, %get3A_486, %select_n3A_444 : vector<16xf32>
        %select_n3A_488 = arith.select %gt3A_487, %get3A_486, %select_n3A_444 : vector<16xi1>, vector<16xf32>
        %select_n3A_489 = arith.select %gt3A_487, %add3A_448, %select_n3A_445 : vector<16xi1>, vector<16xi32>
        %add3A_490 = arith.constant 64 : i32
        %add3A_491 = vector.broadcast %add3A_490 : i32 to vector<16xi32>
        %add3A_492 = arith.addi %add3A_448, %add3A_491 : vector<16xi32>
        %scan3A_493 = arith.constant 3 : i32
        %scan3A_494 = arith.addi %scan3A_352, %scan3A_493 : i32
        %mul3A_495 = arith.constant 64 : i32
        %mul3A_496 = arith.muli %scan3A_494, %mul3A_495 : i32
        %add3A_497 = arith.constant 0 : i32
        %add3A_498 = arith.addi %mul3A_496, %add3A_497 : i32
        %get3A_499 = arith.index_cast %add3A_498 : i32 to index
        %get3A_500 = tpu.vector_load %arg4[%get3A_499] {strides = array<i32>} : memref<32768xf32, #tpu.memory_space<vmem>>, vector<16xf32>,
        %gt3A_501 = arith.cmpf ogt, %get3A_500, %select_n3A_458 : vector<16xf32>
        %select_n3A_502 = arith.select %gt3A_501, %get3A_500, %select_n3A_458 : vector<16xi1>, vector<16xf32>
        %select_n3A_503 = arith.select %gt3A_501, %add3A_462, %select_n3A_459 : vector<16xi1>, vector<16xi32>
        %add3A_504 = arith.constant 64 : i32
        %add3A_505 = vector.broadcast %add3A_504 : i32 to vector<16xi32>
        %add3A_506 = arith.addi %add3A_462, %add3A_505 : vector<16xi32>
        %add3A_507 = arith.constant 16 : i32
        %add3A_508 = arith.addi %mul3A_496, %add3A_507 : i32
        %get3A_509 = arith.index_cast %add3A_508 : i32 to index
        %get3A_510 = tpu.vector_load %arg4[%get3A_509] {strides = array<i32>} : memref<32768xf32, #tpu.memory_space<vmem>>, vector<16xf32>,
        %gt3A_511 = arith.cmpf ogt, %get3A_510, %select_n3A_468 : vector<16xf32>
        %select_n3A_512 = arith.select %gt3A_511, %get3A_510, %select_n3A_468 : vector<16xi1>, vector<16xf32>
        %select_n3A_513 = arith.select %gt3A_511, %add3A_472, %select_n3A_469 : vector<16xi1>, vector<16xi32>
        %add3A_514 = arith.constant 64 : i32
        %add3A_515 = vector.broadcast %add3A_514 : i32 to vector<16xi32>
        %add3A_516 = arith.addi %add3A_472, %add3A_515 : vector<16xi32>
        %add3A_517 = arith.constant 32 : i32
        %add3A_518 = arith.addi %mul3A_496, %add3A_517 : i32
        %get3A_519 = arith.index_cast %add3A_518 : i32 to index
        %get3A_520 = tpu.vector_load %arg4[%get3A_519] {strides = array<i32>} : memref<32768xf32, #tpu.memory_space<vmem>>, vector<16xf32>,
        %gt3A_521 = arith.cmpf ogt, %get3A_520, %select_n3A_478 : vector<16xf32>
        %select_n3A_522 = arith.select %gt3A_521, %get3A_520, %select_n3A_478 : vector<16xi1>, vector<16xf32>
        %select_n3A_523 = arith.select %gt3A_521, %add3A_482, %select_n3A_479 : vector<16xi1>, vector<16xi32>
        %add3A_524 = arith.constant 64 : i32
        %add3A_525 = vector.broadcast %add3A_524 : i32 to vector<16xi32>
        %add3A_526 = arith.addi %add3A_482, %add3A_525 : vector<16xi32>
        %add3A_527 = arith.constant 48 : i32
        %add3A_528 = arith.addi %mul3A_496, %add3A_527 : i32
        %get3A_529 = arith.index_cast %add3A_528 : i32 to index
        %get3A_530 = tpu.vector_load %arg4[%get3A_529] {strides = array<i32>} : memref<32768xf32, #tpu.memory_space<vmem>>, vector<16xf32>,
        %gt3A_531 = arith.cmpf ogt, %get3A_530, %select_n3A_488 : vector<16xf32>
        %select_n3A_532 = arith.select %gt3A_531, %get3A_530, %select_n3A_488 : vector<16xi1>, vector<16xf32>
        %select_n3A_533 = arith.select %gt3A_531, %add3A_492, %select_n3A_489 : vector<16xi1>, vector<16xi32>
        %add3A_534 = arith.constant 64 : i32
        %add3A_535 = vector.broadcast %add3A_534 : i32 to vector<16xi32>
        %add3A_536 = arith.addi %add3A_492, %add3A_535 : vector<16xi32>
        scf.yield %select_n3A_502, %select_n3A_512, %select_n3A_522, %select_n3A_532, %select_n3A_503, %select_n3A_513, %select_n3A_523, %select_n3A_533, %add3A_506, %add3A_516, %add3A_526, %add3A_536 : vector<16xf32>, vector<16xf32>, vector<16xf32>, vector<16xf32>, vector<16xi32>, vector<16xi32>, vector<16xi32>, vector<16xi32>, vector<16xi32>, vector<16xi32>, vector<16xi32>, vector<16xi32>
      }
      %scan3A_201 = arith.constant 512 : i32
      %max3A_202 = arith.maximumf %scan3A_200#0, %scan3A_200#1 : vector<16xf32>
      %max3A_203 = arith.maximumf %max3A_202, %scan3A_200#2 : vector<16xf32>
      %max3A_204 = arith.maximumf %max3A_203, %scan3A_200#3 : vector<16xf32>
      %reduce_max3A_205 = arith.constant true
      %reduce_max3A_206 = vector.broadcast %reduce_max3A_205 : i1 to vector<16xi1>
      %reduce_max3A_207 = tpu.scan <max>, %max3A_204 masked %reduce_max3A_206 : vector<16xf32>, vector<16xi1> -> vector<16xf32>
      %reduce_max3A_208 = vector.extract %reduce_max3A_207[15] : f32 from vector<16xf32>
      %broadcast_in_dim3A_209 = arith.constant 1073741824 : i32
      %broadcast_in_dim3A_210 = vector.broadcast %broadcast_in_dim3A_209 : i32 to vector<16xi32>
      %eq3A_211 = vector.broadcast %reduce_max3A_208 : f32 to vector<16xf32>
      %eq3A_212 = arith.cmpf oeq, %scan3A_200#0, %eq3A_211 : vector<16xf32>
      %jit3A_213 = arith.constant 1073741824 : i32
      %broadcast_in_dim3A_214 = vector.broadcast %jit3A_213 : i32 to vector<16xi32>
      %select_n3A_215 = arith.select %eq3A_212, %scan3A_200#4, %broadcast_in_dim3A_214 : vector<16xi1>, vector<16xi32>
      %min3A_216 = arith.minsi %broadcast_in_dim3A_210, %select_n3A_215 : vector<16xi32>
      %eq3A_217 = vector.broadcast %reduce_max3A_208 : f32 to vector<16xf32>
      %eq3A_218 = arith.cmpf oeq, %scan3A_200#1, %eq3A_217 : vector<16xf32>
      %jit3A_219 = arith.constant 1073741824 : i32
      %broadcast_in_dim3A_220 = vector.broadcast %jit3A_219 : i32 to vector<16xi32>
      %select_n3A_221 = arith.select %eq3A_218, %scan3A_200#5, %broadcast_in_dim3A_220 : vector<16xi1>, vector<16xi32>
      %min3A_222 = arith.minsi %min3A_216, %select_n3A_221 : vector<16xi32>
      %eq3A_223 = vector.broadcast %reduce_max3A_208 : f32 to vector<16xf32>
      %eq3A_224 = arith.cmpf oeq, %scan3A_200#2, %eq3A_223 : vector<16xf32>
      %jit3A_225 = arith.constant 1073741824 : i32
      %broadcast_in_dim3A_226 = vector.broadcast %jit3A_225 : i32 to vector<16xi32>
      %select_n3A_227 = arith.select %eq3A_224, %scan3A_200#6, %broadcast_in_dim3A_226 : vector<16xi1>, vector<16xi32>
      %min3A_228 = arith.minsi %min3A_222, %select_n3A_227 : vector<16xi32>
      %eq3A_229 = vector.broadcast %reduce_max3A_208 : f32 to vector<16xf32>
      %eq3A_230 = arith.cmpf oeq, %scan3A_200#3, %eq3A_229 : vector<16xf32>
      %jit3A_231 = arith.constant 1073741824 : i32
      %broadcast_in_dim3A_232 = vector.broadcast %jit3A_231 : i32 to vector<16xi32>
      %select_n3A_233 = arith.select %eq3A_230, %scan3A_200#7, %broadcast_in_dim3A_232 : vector<16xi1>, vector<16xi32>
      %min3A_234 = arith.minsi %min3A_228, %select_n3A_233 : vector<16xi32>
      %reduce_min3A_235 = arith.constant true
      %reduce_min3A_236 = vector.broadcast %reduce_min3A_235 : i1 to vector<16xi1>
      %reduce_min3A_237 = arith.constant -2147483648 : i32
      %reduce_min3A_238 = vector.broadcast %reduce_min3A_237 : i32 to vector<16xi32>
      %reduce_min3A_239 = arith.xori %min3A_234, %reduce_min3A_238 : vector<16xi32>
      %reduce_min3A_240 = tpu.scan <min>, %reduce_min3A_239 masked %reduce_min3A_236 : vector<16xi32>, vector<16xi1> -> vector<16xi32>
      %reduce_min3A_241 = arith.xori %reduce_min3A_240, %reduce_min3A_238 : vector<16xi32>
      %reduce_min3A_242 = vector.extract %reduce_min3A_241[15] : i32 from vector<16xi32>
      %add3A_243 = arith.addi %mul3A_2, %mul3A_171 : i32
      %add3A_244 = arith.constant 2 : i32
      %add3A_245 = arith.addi %add3A_243, %add3A_244 : i32
      %dma_start3A_246 = arith.constant 0 : i32
      %dma_start3A_247 = tpu.memref_slice %arg2[%add3A_245, %dma_start3A_246] : memref<2048x32768xf32, #tpu.memory_space<hbm>> -> memref<1x32768xf32, #tpu.memory_space<hbm>>
      %dma_start3A_248 = tpu.memref_squeeze %dma_start3A_247 : memref<1x32768xf32, #tpu.memory_space<hbm>> -> memref<32768xf32, #tpu.memory_space<hbm>>
      %dma_start3A_249 = arith.constant 0 : i32
      %dma_start3A_250 = tpu.memref_slice %arg2[%add3A_245, %dma_start3A_249] : memref<2048x32768xf32, #tpu.memory_space<hbm>> -> memref<1x32768xf32, #tpu.memory_space<hbm>>
      %dma_start3A_251 = tpu.memref_squeeze %dma_start3A_250 : memref<1x32768xf32, #tpu.memory_space<hbm>> -> memref<32768xf32, #tpu.memory_space<hbm>>
      tpu.enqueue_dma source(%dma_start3A_251 : memref<32768xf32, #tpu.memory_space<hbm>>) target(%arg4 : memref<32768xf32, #tpu.memory_space<vmem>>) target_semaphore(%arg7 : memref<!tpu.dma_semaphore, #tpu.memory_space<semaphore_mem>>)
      %and3A = arith.constant 15 : i32
      %and3A_252 = arith.andi %mul3A_171, %and3A : i32
      %iota3A_253 = tpu.iota {dimensions = array<i32: 0>} : vector<16xi32>
      %eq3A_254 = vector.broadcast %and3A_252 : i32 to vector<16xi32>
      %eq3A_255 = arith.cmpi eq, %iota3A_253, %eq3A_254 : vector<16xi32>
      %broadcast_in_dim3A_256 = vector.broadcast %reduce_min3A_242 : i32 to vector<16xi32>
      %select_n3A_257 = arith.select %eq3A_255, %broadcast_in_dim3A_256, %scan3A_169 : vector<16xi1>, vector<16xi32>
      %dma_wait3A_258 = arith.constant 0 : i32
      %dma_wait3A_259 = tpu.memref_slice %arg2[%mul3A_2, %dma_wait3A_258] : memref<2048x32768xf32, #tpu.memory_space<hbm>> -> memref<1x32768xf32, #tpu.memory_space<hbm>>
      %dma_wait3A_260 = tpu.memref_squeeze %dma_wait3A_259 : memref<1x32768xf32, #tpu.memory_space<hbm>> -> memref<32768xf32, #tpu.memory_space<hbm>>
      %dma_wait3A_261 = arith.constant 0 : i32
      %dma_wait3A_262 = tpu.memref_slice %arg2[%mul3A_2, %dma_wait3A_261] : memref<2048x32768xf32, #tpu.memory_space<hbm>> -> memref<1x32768xf32, #tpu.memory_space<hbm>>
      %dma_wait3A_263 = tpu.memref_squeeze %dma_wait3A_262 : memref<1x32768xf32, #tpu.memory_space<hbm>> -> memref<32768xf32, #tpu.memory_space<hbm>>
      tpu.wait_dma2 semaphore(%arg8 : memref<!tpu.dma_semaphore, #tpu.memory_space<semaphore_mem>>) src(%dma_wait3A_263 : memref<32768xf32, #tpu.memory_space<hbm>>) dst(%arg5 : memref<32768xf32, #tpu.memory_space<vmem>>)
      %iota3A_264 = tpu.iota {dimensions = array<i32: 0>} : vector<16xi32>
      %broadcast_in_dim3A_265 = arith.constant 0xFF800000 : f32
      %broadcast_in_dim3A_266 = vector.broadcast %broadcast_in_dim3A_265 : f32 to vector<16xf32>
      %mul3A_267 = arith.constant 0 : i32
      %mul3A_268 = vector.broadcast %mul3A_267 : i32 to vector<16xi32>
      %mul3A_269 = arith.muli %iota3A_264, %mul3A_268 : vector<16xi32>
      %add3A_270 = arith.constant 0 : i32
      %add3A_271 = vector.broadcast %add3A_270 : i32 to vector<16xi32>
      %add3A_272 = arith.addi %iota3A_264, %add3A_271 : vector<16xi32>
      %add3A_273 = arith.constant 16 : i32
      %add3A_274 = vector.broadcast %add3A_273 : i32 to vector<16xi32>
      %add3A_275 = arith.addi %iota3A_264, %add3A_274 : vector<16xi32>
      %add3A_276 = arith.constant 32 : i32
      %add3A_277 = vector.broadcast %add3A_276 : i32 to vector<16xi32>
      %add3A_278 = arith.addi %iota3A_264, %add3A_277 : vector<16xi32>
      %add3A_279 = arith.constant 48 : i32
      %add3A_280 = vector.broadcast %add3A_279 : i32 to vector<16xi32>
      %add3A_281 = arith.addi %iota3A_264, %add3A_280 : vector<16xi32>
      %scan3A_282 = arith.constant 0 : i32
      %scan3A_283 = arith.constant 512 : i32
      %scan3A_284 = arith.addi %scan3A_282, %scan3A_283 : i32
      %scan3A_285 = arith.constant 4 : i32
      %scan3A_286:12 = scf.for %scan3A_352 = %scan3A_282 to %scan3A_284 step %scan3A_285 iter_args(%scan3A_353 = %broadcast_in_dim3A_266, %scan3A_354 = %broadcast_in_dim3A_266, %scan3A_355 = %broadcast_in_dim3A_266, %scan3A_356 = %broadcast_in_dim3A_266, %scan3A_357 = %mul3A_269, %scan3A_358 = %mul3A_269, %scan3A_359 = %mul3A_269, %scan3A_360 = %mul3A_269, %scan3A_361 = %add3A_272, %scan3A_362 = %add3A_275, %scan3A_363 = %add3A_278, %scan3A_364 = %add3A_281) -> (vector<16xf32>, vector<16xf32>, vector<16xf32>, vector<16xf32>, vector<16xi32>, vector<16xi32>, vector<16xi32>, vector<16xi32>, vector<16xi32>, vector<16xi32>, vector<16xi32>, vector<16xi32>)  : i32 {
        %mul3A_365 = arith.constant 64 : i32
        %mul3A_366 = arith.muli %scan3A_352, %mul3A_365 : i32
        %add3A_367 = arith.constant 0 : i32
        %add3A_368 = arith.addi %mul3A_366, %add3A_367 : i32
        %get3A = arith.index_cast %add3A_368 : i32 to index
        %get3A_369 = tpu.vector_load %arg5[%get3A] {strides = array<i32>} : memref<32768xf32, #tpu.memory_space<vmem>>, vector<16xf32>,
        %gt3A = arith.cmpf ogt, %get3A_369, %scan3A_353 : vector<16xf32>
        %select_n3A_370 = arith.select %gt3A, %get3A_369, %scan3A_353 : vector<16xi1>, vector<16xf32>
        %select_n3A_371 = arith.select %gt3A, %scan3A_361, %scan3A_357 : vector<16xi1>, vector<16xi32>
        %add3A_372 = arith.constant 64 : i32
        %add3A_373 = vector.broadcast %add3A_372 : i32 to vector<16xi32>
        %add3A_374 = arith.addi %scan3A_361, %add3A_373 : vector<16xi32>
        %add3A_375 = arith.constant 16 : i32
        %add3A_376 = arith.addi %mul3A_366, %add3A_375 : i32
        %get3A_377 = arith.index_cast %add3A_376 : i32 to index
        %get3A_378 = tpu.vector_load %arg5[%get3A_377] {strides = array<i32>} : memref<32768xf32, #tpu.memory_space<vmem>>, vector<16xf32>,
        %gt3A_379 = arith.cmpf ogt, %get3A_378, %scan3A_354 : vector<16xf32>
        %select_n3A_380 = arith.select %gt3A_379, %get3A_378, %scan3A_354 : vector<16xi1>, vector<16xf32>
        %select_n3A_381 = arith.select %gt3A_379, %scan3A_362, %scan3A_358 : vector<16xi1>, vector<16xi32>
        %add3A_382 = arith.constant 64 : i32
        %add3A_383 = vector.broadcast %add3A_382 : i32 to vector<16xi32>
        %add3A_384 = arith.addi %scan3A_362, %add3A_383 : vector<16xi32>
        %add3A_385 = arith.constant 32 : i32
        %add3A_386 = arith.addi %mul3A_366, %add3A_385 : i32
        %get3A_387 = arith.index_cast %add3A_386 : i32 to index
        %get3A_388 = tpu.vector_load %arg5[%get3A_387] {strides = array<i32>} : memref<32768xf32, #tpu.memory_space<vmem>>, vector<16xf32>,
        %gt3A_389 = arith.cmpf ogt, %get3A_388, %scan3A_355 : vector<16xf32>
        %select_n3A_390 = arith.select %gt3A_389, %get3A_388, %scan3A_355 : vector<16xi1>, vector<16xf32>
        %select_n3A_391 = arith.select %gt3A_389, %scan3A_363, %scan3A_359 : vector<16xi1>, vector<16xi32>
        %add3A_392 = arith.constant 64 : i32
        %add3A_393 = vector.broadcast %add3A_392 : i32 to vector<16xi32>
        %add3A_394 = arith.addi %scan3A_363, %add3A_393 : vector<16xi32>
        %add3A_395 = arith.constant 48 : i32
        %add3A_396 = arith.addi %mul3A_366, %add3A_395 : i32
        %get3A_397 = arith.index_cast %add3A_396 : i32 to index
        %get3A_398 = tpu.vector_load %arg5[%get3A_397] {strides = array<i32>} : memref<32768xf32, #tpu.memory_space<vmem>>, vector<16xf32>,
        %gt3A_399 = arith.cmpf ogt, %get3A_398, %scan3A_356 : vector<16xf32>
        %select_n3A_400 = arith.select %gt3A_399, %get3A_398, %scan3A_356 : vector<16xi1>, vector<16xf32>
        %select_n3A_401 = arith.select %gt3A_399, %scan3A_364, %scan3A_360 : vector<16xi1>, vector<16xi32>
        %add3A_402 = arith.constant 64 : i32
        %add3A_403 = vector.broadcast %add3A_402 : i32 to vector<16xi32>
        %add3A_404 = arith.addi %scan3A_364, %add3A_403 : vector<16xi32>
        %scan3A_405 = arith.constant 1 : i32
        %scan3A_406 = arith.addi %scan3A_352, %scan3A_405 : i32
        %mul3A_407 = arith.constant 64 : i32
        %mul3A_408 = arith.muli %scan3A_406, %mul3A_407 : i32
        %add3A_409 = arith.constant 0 : i32
        %add3A_410 = arith.addi %mul3A_408, %add3A_409 : i32
        %get3A_411 = arith.index_cast %add3A_410 : i32 to index
        %get3A_412 = tpu.vector_load %arg5[%get3A_411] {strides = array<i32>} : memref<32768xf32, #tpu.memory_space<vmem>>, vector<16xf32>,
        %gt3A_413 = arith.cmpf ogt, %get3A_412, %select_n3A_370 : vector<16xf32>
        %select_n3A_414 = arith.select %gt3A_413, %get3A_412, %select_n3A_370 : vector<16xi1>, vector<16xf32>
        %select_n3A_415 = arith.select %gt3A_413, %add3A_374, %select_n3A_371 : vector<16xi1>, vector<16xi32>
        %add3A_416 = arith.constant 64 : i32
        %add3A_417 = vector.broadcast %add3A_416 : i32 to vector<16xi32>
        %add3A_418 = arith.addi %add3A_374, %add3A_417 : vector<16xi32>
        %add3A_419 = arith.constant 16 : i32
        %add3A_420 = arith.addi %mul3A_408, %add3A_419 : i32
        %get3A_421 = arith.index_cast %add3A_420 : i32 to index
        %get3A_422 = tpu.vector_load %arg5[%get3A_421] {strides = array<i32>} : memref<32768xf32, #tpu.memory_space<vmem>>, vector<16xf32>,
        %gt3A_423 = arith.cmpf ogt, %get3A_422, %select_n3A_380 : vector<16xf32>
        %select_n3A_424 = arith.select %gt3A_423, %get3A_422, %select_n3A_380 : vector<16xi1>, vector<16xf32>
        %select_n3A_425 = arith.select %gt3A_423, %add3A_384, %select_n3A_381 : vector<16xi1>, vector<16xi32>
        %add3A_426 = arith.constant 64 : i32
        %add3A_427 = vector.broadcast %add3A_426 : i32 to vector<16xi32>
        %add3A_428 = arith.addi %add3A_384, %add3A_427 : vector<16xi32>
        %add3A_429 = arith.constant 32 : i32
        %add3A_430 = arith.addi %mul3A_408, %add3A_429 : i32
        %get3A_431 = arith.index_cast %add3A_430 : i32 to index
        %get3A_432 = tpu.vector_load %arg5[%get3A_431] {strides = array<i32>} : memref<32768xf32, #tpu.memory_space<vmem>>, vector<16xf32>,
        %gt3A_433 = arith.cmpf ogt, %get3A_432, %select_n3A_390 : vector<16xf32>
        %select_n3A_434 = arith.select %gt3A_433, %get3A_432, %select_n3A_390 : vector<16xi1>, vector<16xf32>
        %select_n3A_435 = arith.select %gt3A_433, %add3A_394, %select_n3A_391 : vector<16xi1>, vector<16xi32>
        %add3A_436 = arith.constant 64 : i32
        %add3A_437 = vector.broadcast %add3A_436 : i32 to vector<16xi32>
        %add3A_438 = arith.addi %add3A_394, %add3A_437 : vector<16xi32>
        %add3A_439 = arith.constant 48 : i32
        %add3A_440 = arith.addi %mul3A_408, %add3A_439 : i32
        %get3A_441 = arith.index_cast %add3A_440 : i32 to index
        %get3A_442 = tpu.vector_load %arg5[%get3A_441] {strides = array<i32>} : memref<32768xf32, #tpu.memory_space<vmem>>, vector<16xf32>,
        %gt3A_443 = arith.cmpf ogt, %get3A_442, %select_n3A_400 : vector<16xf32>
        %select_n3A_444 = arith.select %gt3A_443, %get3A_442, %select_n3A_400 : vector<16xi1>, vector<16xf32>
        %select_n3A_445 = arith.select %gt3A_443, %add3A_404, %select_n3A_401 : vector<16xi1>, vector<16xi32>
        %add3A_446 = arith.constant 64 : i32
        %add3A_447 = vector.broadcast %add3A_446 : i32 to vector<16xi32>
        %add3A_448 = arith.addi %add3A_404, %add3A_447 : vector<16xi32>
        %scan3A_449 = arith.constant 2 : i32
        %scan3A_450 = arith.addi %scan3A_352, %scan3A_449 : i32
        %mul3A_451 = arith.constant 64 : i32
        %mul3A_452 = arith.muli %scan3A_450, %mul3A_451 : i32
        %add3A_453 = arith.constant 0 : i32
        %add3A_454 = arith.addi %mul3A_452, %add3A_453 : i32
        %get3A_455 = arith.index_cast %add3A_454 : i32 to index
        %get3A_456 = tpu.vector_load %arg5[%get3A_455] {strides = array<i32>} : memref<32768xf32, #tpu.memory_space<vmem>>, vector<16xf32>,
        %gt3A_457 = arith.cmpf ogt, %get3A_456, %select_n3A_414 : vector<16xf32>
        %select_n3A_458 = arith.select %gt3A_457, %get3A_456, %select_n3A_414 : vector<16xi1>, vector<16xf32>
        %select_n3A_459 = arith.select %gt3A_457, %add3A_418, %select_n3A_415 : vector<16xi1>, vector<16xi32>
        %add3A_460 = arith.constant 64 : i32
        %add3A_461 = vector.broadcast %add3A_460 : i32 to vector<16xi32>
        %add3A_462 = arith.addi %add3A_418, %add3A_461 : vector<16xi32>
        %add3A_463 = arith.constant 16 : i32
        %add3A_464 = arith.addi %mul3A_452, %add3A_463 : i32
        %get3A_465 = arith.index_cast %add3A_464 : i32 to index
        %get3A_466 = tpu.vector_load %arg5[%get3A_465] {strides = array<i32>} : memref<32768xf32, #tpu.memory_space<vmem>>, vector<16xf32>,
        %gt3A_467 = arith.cmpf ogt, %get3A_466, %select_n3A_424 : vector<16xf32>
        %select_n3A_468 = arith.select %gt3A_467, %get3A_466, %select_n3A_424 : vector<16xi1>, vector<16xf32>
        %select_n3A_469 = arith.select %gt3A_467, %add3A_428, %select_n3A_425 : vector<16xi1>, vector<16xi32>
        %add3A_470 = arith.constant 64 : i32
        %add3A_471 = vector.broadcast %add3A_470 : i32 to vector<16xi32>
        %add3A_472 = arith.addi %add3A_428, %add3A_471 : vector<16xi32>
        %add3A_473 = arith.constant 32 : i32
        %add3A_474 = arith.addi %mul3A_452, %add3A_473 : i32
        %get3A_475 = arith.index_cast %add3A_474 : i32 to index
        %get3A_476 = tpu.vector_load %arg5[%get3A_475] {strides = array<i32>} : memref<32768xf32, #tpu.memory_space<vmem>>, vector<16xf32>,
        %gt3A_477 = arith.cmpf ogt, %get3A_476, %select_n3A_434 : vector<16xf32>
        %select_n3A_478 = arith.select %gt3A_477, %get3A_476, %select_n3A_434 : vector<16xi1>, vector<16xf32>
        %select_n3A_479 = arith.select %gt3A_477, %add3A_438, %select_n3A_435 : vector<16xi1>, vector<16xi32>
        %add3A_480 = arith.constant 64 : i32
        %add3A_481 = vector.broadcast %add3A_480 : i32 to vector<16xi32>
        %add3A_482 = arith.addi %add3A_438, %add3A_481 : vector<16xi32>
        %add3A_483 = arith.constant 48 : i32
        %add3A_484 = arith.addi %mul3A_452, %add3A_483 : i32
        %get3A_485 = arith.index_cast %add3A_484 : i32 to index
        %get3A_486 = tpu.vector_load %arg5[%get3A_485] {strides = array<i32>} : memref<32768xf32, #tpu.memory_space<vmem>>, vector<16xf32>,
        %gt3A_487 = arith.cmpf ogt, %get3A_486, %select_n3A_444 : vector<16xf32>
        %select_n3A_488 = arith.select %gt3A_487, %get3A_486, %select_n3A_444 : vector<16xi1>, vector<16xf32>
        %select_n3A_489 = arith.select %gt3A_487, %add3A_448, %select_n3A_445 : vector<16xi1>, vector<16xi32>
        %add3A_490 = arith.constant 64 : i32
        %add3A_491 = vector.broadcast %add3A_490 : i32 to vector<16xi32>
        %add3A_492 = arith.addi %add3A_448, %add3A_491 : vector<16xi32>
        %scan3A_493 = arith.constant 3 : i32
        %scan3A_494 = arith.addi %scan3A_352, %scan3A_493 : i32
        %mul3A_495 = arith.constant 64 : i32
        %mul3A_496 = arith.muli %scan3A_494, %mul3A_495 : i32
        %add3A_497 = arith.constant 0 : i32
        %add3A_498 = arith.addi %mul3A_496, %add3A_497 : i32
        %get3A_499 = arith.index_cast %add3A_498 : i32 to index
        %get3A_500 = tpu.vector_load %arg5[%get3A_499] {strides = array<i32>} : memref<32768xf32, #tpu.memory_space<vmem>>, vector<16xf32>,
        %gt3A_501 = arith.cmpf ogt, %get3A_500, %select_n3A_458 : vector<16xf32>
        %select_n3A_502 = arith.select %gt3A_501, %get3A_500, %select_n3A_458 : vector<16xi1>, vector<16xf32>
        %select_n3A_503 = arith.select %gt3A_501, %add3A_462, %select_n3A_459 : vector<16xi1>, vector<16xi32>
        %add3A_504 = arith.constant 64 : i32
        %add3A_505 = vector.broadcast %add3A_504 : i32 to vector<16xi32>
        %add3A_506 = arith.addi %add3A_462, %add3A_505 : vector<16xi32>
        %add3A_507 = arith.constant 16 : i32
        %add3A_508 = arith.addi %mul3A_496, %add3A_507 : i32
        %get3A_509 = arith.index_cast %add3A_508 : i32 to index
        %get3A_510 = tpu.vector_load %arg5[%get3A_509] {strides = array<i32>} : memref<32768xf32, #tpu.memory_space<vmem>>, vector<16xf32>,
        %gt3A_511 = arith.cmpf ogt, %get3A_510, %select_n3A_468 : vector<16xf32>
        %select_n3A_512 = arith.select %gt3A_511, %get3A_510, %select_n3A_468 : vector<16xi1>, vector<16xf32>
        %select_n3A_513 = arith.select %gt3A_511, %add3A_472, %select_n3A_469 : vector<16xi1>, vector<16xi32>
        %add3A_514 = arith.constant 64 : i32
        %add3A_515 = vector.broadcast %add3A_514 : i32 to vector<16xi32>
        %add3A_516 = arith.addi %add3A_472, %add3A_515 : vector<16xi32>
        %add3A_517 = arith.constant 32 : i32
        %add3A_518 = arith.addi %mul3A_496, %add3A_517 : i32
        %get3A_519 = arith.index_cast %add3A_518 : i32 to index
        %get3A_520 = tpu.vector_load %arg5[%get3A_519] {strides = array<i32>} : memref<32768xf32, #tpu.memory_space<vmem>>, vector<16xf32>,
        %gt3A_521 = arith.cmpf ogt, %get3A_520, %select_n3A_478 : vector<16xf32>
        %select_n3A_522 = arith.select %gt3A_521, %get3A_520, %select_n3A_478 : vector<16xi1>, vector<16xf32>
        %select_n3A_523 = arith.select %gt3A_521, %add3A_482, %select_n3A_479 : vector<16xi1>, vector<16xi32>
        %add3A_524 = arith.constant 64 : i32
        %add3A_525 = vector.broadcast %add3A_524 : i32 to vector<16xi32>
        %add3A_526 = arith.addi %add3A_482, %add3A_525 : vector<16xi32>
        %add3A_527 = arith.constant 48 : i32
        %add3A_528 = arith.addi %mul3A_496, %add3A_527 : i32
        %get3A_529 = arith.index_cast %add3A_528 : i32 to index
        %get3A_530 = tpu.vector_load %arg5[%get3A_529] {strides = array<i32>} : memref<32768xf32, #tpu.memory_space<vmem>>, vector<16xf32>,
        %gt3A_531 = arith.cmpf ogt, %get3A_530, %select_n3A_488 : vector<16xf32>
        %select_n3A_532 = arith.select %gt3A_531, %get3A_530, %select_n3A_488 : vector<16xi1>, vector<16xf32>
        %select_n3A_533 = arith.select %gt3A_531, %add3A_492, %select_n3A_489 : vector<16xi1>, vector<16xi32>
        %add3A_534 = arith.constant 64 : i32
        %add3A_535 = vector.broadcast %add3A_534 : i32 to vector<16xi32>
        %add3A_536 = arith.addi %add3A_492, %add3A_535 : vector<16xi32>
        scf.yield %select_n3A_502, %select_n3A_512, %select_n3A_522, %select_n3A_532, %select_n3A_503, %select_n3A_513, %select_n3A_523, %select_n3A_533, %add3A_506, %add3A_516, %add3A_526, %add3A_536 : vector<16xf32>, vector<16xf32>, vector<16xf32>, vector<16xf32>, vector<16xi32>, vector<16xi32>, vector<16xi32>, vector<16xi32>, vector<16xi32>, vector<16xi32>, vector<16xi32>, vector<16xi32>
      }
      %scan3A_287 = arith.constant 512 : i32
      %max3A_288 = arith.maximumf %scan3A_286#0, %scan3A_286#1 : vector<16xf32>
      %max3A_289 = arith.maximumf %max3A_288, %scan3A_286#2 : vector<16xf32>
      %max3A_290 = arith.maximumf %max3A_289, %scan3A_286#3 : vector<16xf32>
      %reduce_max3A_291 = arith.constant true
      %reduce_max3A_292 = vector.broadcast %reduce_max3A_291 : i1 to vector<16xi1>
      %reduce_max3A_293 = tpu.scan <max>, %max3A_290 masked %reduce_max3A_292 : vector<16xf32>, vector<16xi1> -> vector<16xf32>
      %reduce_max3A_294 = vector.extract %reduce_max3A_293[15] : f32 from vector<16xf32>
      %broadcast_in_dim3A_295 = arith.constant 1073741824 : i32
      %broadcast_in_dim3A_296 = vector.broadcast %broadcast_in_dim3A_295 : i32 to vector<16xi32>
      %eq3A_297 = vector.broadcast %reduce_max3A_294 : f32 to vector<16xf32>
      %eq3A_298 = arith.cmpf oeq, %scan3A_286#0, %eq3A_297 : vector<16xf32>
      %jit3A_299 = arith.constant 1073741824 : i32
      %broadcast_in_dim3A_300 = vector.broadcast %jit3A_299 : i32 to vector<16xi32>
      %select_n3A_301 = arith.select %eq3A_298, %scan3A_286#4, %broadcast_in_dim3A_300 : vector<16xi1>, vector<16xi32>
      %min3A_302 = arith.minsi %broadcast_in_dim3A_296, %select_n3A_301 : vector<16xi32>
      %eq3A_303 = vector.broadcast %reduce_max3A_294 : f32 to vector<16xf32>
      %eq3A_304 = arith.cmpf oeq, %scan3A_286#1, %eq3A_303 : vector<16xf32>
      %jit3A_305 = arith.constant 1073741824 : i32
      %broadcast_in_dim3A_306 = vector.broadcast %jit3A_305 : i32 to vector<16xi32>
      %select_n3A_307 = arith.select %eq3A_304, %scan3A_286#5, %broadcast_in_dim3A_306 : vector<16xi1>, vector<16xi32>
      %min3A_308 = arith.minsi %min3A_302, %select_n3A_307 : vector<16xi32>
      %eq3A_309 = vector.broadcast %reduce_max3A_294 : f32 to vector<16xf32>
      %eq3A_310 = arith.cmpf oeq, %scan3A_286#2, %eq3A_309 : vector<16xf32>
      %jit3A_311 = arith.constant 1073741824 : i32
      %broadcast_in_dim3A_312 = vector.broadcast %jit3A_311 : i32 to vector<16xi32>
      %select_n3A_313 = arith.select %eq3A_310, %scan3A_286#6, %broadcast_in_dim3A_312 : vector<16xi1>, vector<16xi32>
      %min3A_314 = arith.minsi %min3A_308, %select_n3A_313 : vector<16xi32>
      %eq3A_315 = vector.broadcast %reduce_max3A_294 : f32 to vector<16xf32>
      %eq3A_316 = arith.cmpf oeq, %scan3A_286#3, %eq3A_315 : vector<16xf32>
      %jit3A_317 = arith.constant 1073741824 : i32
      %broadcast_in_dim3A_318 = vector.broadcast %jit3A_317 : i32 to vector<16xi32>
      %select_n3A_319 = arith.select %eq3A_316, %scan3A_286#7, %broadcast_in_dim3A_318 : vector<16xi1>, vector<16xi32>
      %min3A_320 = arith.minsi %min3A_314, %select_n3A_319 : vector<16xi32>
      %reduce_min3A_321 = arith.constant true
      %reduce_min3A_322 = vector.broadcast %reduce_min3A_321 : i1 to vector<16xi1>
      %reduce_min3A_323 = arith.constant -2147483648 : i32
      %reduce_min3A_324 = vector.broadcast %reduce_min3A_323 : i32 to vector<16xi32>
      %reduce_min3A_325 = arith.xori %min3A_320, %reduce_min3A_324 : vector<16xi32>
      %reduce_min3A_326 = tpu.scan <min>, %reduce_min3A_325 masked %reduce_min3A_322 : vector<16xi32>, vector<16xi1> -> vector<16xi32>
      %reduce_min3A_327 = arith.xori %reduce_min3A_326, %reduce_min3A_324 : vector<16xi32>
      %reduce_min3A_328 = vector.extract %reduce_min3A_327[15] : i32 from vector<16xi32>
      %add3A_329 = arith.addi %mul3A_2, %mul3A_171 : i32
      %add3A_330 = arith.constant 3 : i32
      %add3A_331 = arith.addi %add3A_329, %add3A_330 : i32
      %dma_start3A_332 = arith.constant 0 : i32
      %dma_start3A_333 = tpu.memref_slice %arg2[%add3A_331, %dma_start3A_332] : memref<2048x32768xf32, #tpu.memory_space<hbm>> -> memref<1x32768xf32, #tpu.memory_space<hbm>>
      %dma_start3A_334 = tpu.memref_squeeze %dma_start3A_333 : memref<1x32768xf32, #tpu.memory_space<hbm>> -> memref<32768xf32, #tpu.memory_space<hbm>>
      %dma_start3A_335 = arith.constant 0 : i32
      %dma_start3A_336 = tpu.memref_slice %arg2[%add3A_331, %dma_start3A_335] : memref<2048x32768xf32, #tpu.memory_space<hbm>> -> memref<1x32768xf32, #tpu.memory_space<hbm>>
      %dma_start3A_337 = tpu.memref_squeeze %dma_start3A_336 : memref<1x32768xf32, #tpu.memory_space<hbm>> -> memref<32768xf32, #tpu.memory_space<hbm>>
      tpu.enqueue_dma source(%dma_start3A_337 : memref<32768xf32, #tpu.memory_space<hbm>>) target(%arg5 : memref<32768xf32, #tpu.memory_space<vmem>>) target_semaphore(%arg8 : memref<!tpu.dma_semaphore, #tpu.memory_space<semaphore_mem>>)
      %add3A_338 = arith.constant 1 : i32
      %add3A_339 = arith.addi %mul3A_171, %add3A_338 : i32
      %and3A_340 = arith.constant 15 : i32
      %and3A_341 = arith.andi %add3A_339, %and3A_340 : i32
      %iota3A_342 = tpu.iota {dimensions = array<i32: 0>} : vector<16xi32>
      %eq3A_343 = vector.broadcast %and3A_341 : i32 to vector<16xi32>
      %eq3A_344 = arith.cmpi eq, %iota3A_342, %eq3A_343 : vector<16xi32>
      %broadcast_in_dim3A_345 = vector.broadcast %reduce_min3A_328 : i32 to vector<16xi32>
      %select_n3A_346 = arith.select %eq3A_344, %broadcast_in_dim3A_345, %select_n3A_257 : vector<16xi1>, vector<16xi32>
      %and3A_347 = arith.constant 7 : i32
      %and3A_348 = arith.andi %scan3A_168, %and3A_347 : i32
      %eq3A_349 = arith.constant 7 : i32
      %eq3A_350 = arith.cmpi eq, %and3A_348, %eq3A_349 : i32
      %convert_element_type3A = arith.extui %eq3A_350 : i1 to i32
      %cond3A = arith.constant 0 : i32
      %cond3A_351 = arith.cmpi ne, %convert_element_type3A, %cond3A : i32
      scf.if %cond3A_351 {
        %jit3A_352 = arith.constant 8 : i32
        %div3A = arith.divsi %scan3A_168, %jit3A_352 : i32
        %sign3A = arith.constant 0 : i32
        %sign3A_353 = arith.cmpi sgt, %scan3A_168, %sign3A : i32
        %sign3A_354 = arith.extui %sign3A_353 : i1 to i32
        %sign3A_355 = arith.constant 0 : i32
        %sign3A_356 = arith.cmpi slt, %scan3A_168, %sign3A_355 : i32
        %sign3A_357 = arith.extui %sign3A_356 : i1 to i32
        %sign3A_358 = arith.subi %sign3A_354, %sign3A_357 : i32
        %sign3A_359 = arith.constant 0 : i32
        %sign3A_360 = arith.cmpi sgt, %jit3A_352, %sign3A_359 : i32
        %sign3A_361 = arith.extui %sign3A_360 : i1 to i32
        %sign3A_362 = arith.constant 0 : i32
        %sign3A_363 = arith.cmpi slt, %jit3A_352, %sign3A_362 : i32
        %sign3A_364 = arith.extui %sign3A_363 : i1 to i32
        %sign3A_365 = arith.subi %sign3A_361, %sign3A_364 : i32
        %ne3A = arith.cmpi ne, %sign3A_358, %sign3A_365 : i32
        %rem3A = arith.remsi %scan3A_168, %jit3A_352 : i32
        %ne3A_366 = arith.constant 0 : i32
        %ne3A_367 = arith.cmpi ne, %rem3A, %ne3A_366 : i32
        %and3A_368 = arith.andi %ne3A, %ne3A_367 : i1
        %sub3A = arith.constant 1 : i32
        %sub3A_369 = arith.subi %div3A, %sub3A : i32
        %select_n3A_370 = arith.select %and3A_368, %sub3A_369, %div3A : i32
        %mul3A_371 = arith.constant 16 : i32
        %mul3A_372 = arith.muli %select_n3A_370, %mul3A_371 : i32
        %swap3A_373 = arith.index_cast %mul3A_372 : i32 to index
        %swap3A_374 = tpu.vector_load %arg6[%swap3A_373] {strides = array<i32>} : memref<32xi32, #tpu.memory_space<vmem>>, vector<16xi32>,
        tpu.vector_store %arg6[%swap3A_373], %select_n3A_346 {strides = array<i32>} : memref<32xi32, #tpu.memory_space<vmem>>, vector<16xi32>,
      } else {
      }
      scf.yield %select_n3A_346 : vector<16xi32>
    }
    %scan3A_21 = arith.constant 11 : i32
    %dma_wait3A = arith.constant 0 : i32
    %dma_wait3A_22 = tpu.memref_slice %arg2[%mul3A_2, %dma_wait3A] : memref<2048x32768xf32, #tpu.memory_space<hbm>> -> memref<1x32768xf32, #tpu.memory_space<hbm>>
    %dma_wait3A_23 = tpu.memref_squeeze %dma_wait3A_22 : memref<1x32768xf32, #tpu.memory_space<hbm>> -> memref<32768xf32, #tpu.memory_space<hbm>>
    %dma_wait3A_24 = arith.constant 0 : i32
    %dma_wait3A_25 = tpu.memref_slice %arg2[%mul3A_2, %dma_wait3A_24] : memref<2048x32768xf32, #tpu.memory_space<hbm>> -> memref<1x32768xf32, #tpu.memory_space<hbm>>
    %dma_wait3A_26 = tpu.memref_squeeze %dma_wait3A_25 : memref<1x32768xf32, #tpu.memory_space<hbm>> -> memref<32768xf32, #tpu.memory_space<hbm>>
    tpu.wait_dma2 semaphore(%arg7 : memref<!tpu.dma_semaphore, #tpu.memory_space<semaphore_mem>>) src(%dma_wait3A_26 : memref<32768xf32, #tpu.memory_space<hbm>>) dst(%arg4 : memref<32768xf32, #tpu.memory_space<vmem>>)
    %iota3A = tpu.iota {dimensions = array<i32: 0>} : vector<16xi32>
    %broadcast_in_dim3A_27 = arith.constant 0xFF800000 : f32
    %broadcast_in_dim3A_28 = vector.broadcast %broadcast_in_dim3A_27 : f32 to vector<16xf32>
    %mul3A_29 = arith.constant 0 : i32
    %mul3A_30 = vector.broadcast %mul3A_29 : i32 to vector<16xi32>
    %mul3A_31 = arith.muli %iota3A, %mul3A_30 : vector<16xi32>
    %add3A_32 = arith.constant 0 : i32
    %add3A_33 = vector.broadcast %add3A_32 : i32 to vector<16xi32>
    %add3A_34 = arith.addi %iota3A, %add3A_33 : vector<16xi32>
    %add3A_35 = arith.constant 16 : i32
    %add3A_36 = vector.broadcast %add3A_35 : i32 to vector<16xi32>
    %add3A_37 = arith.addi %iota3A, %add3A_36 : vector<16xi32>
    %add3A_38 = arith.constant 32 : i32
    %add3A_39 = vector.broadcast %add3A_38 : i32 to vector<16xi32>
    %add3A_40 = arith.addi %iota3A, %add3A_39 : vector<16xi32>
    %add3A_41 = arith.constant 48 : i32
    %add3A_42 = vector.broadcast %add3A_41 : i32 to vector<16xi32>
    %add3A_43 = arith.addi %iota3A, %add3A_42 : vector<16xi32>
    %scan3A_44 = arith.constant 0 : i32
    %scan3A_45 = arith.constant 512 : i32
    %scan3A_46 = arith.addi %scan3A_44, %scan3A_45 : i32
    %scan3A_47 = arith.constant 4 : i32
    %scan3A_48:12 = scf.for %scan3A_168 = %scan3A_44 to %scan3A_46 step %scan3A_47 iter_args(%scan3A_169 = %broadcast_in_dim3A_28, %scan3A_170 = %broadcast_in_dim3A_28, %scan3A_171 = %broadcast_in_dim3A_28, %scan3A_172 = %broadcast_in_dim3A_28, %scan3A_173 = %mul3A_31, %scan3A_174 = %mul3A_31, %scan3A_175 = %mul3A_31, %scan3A_176 = %mul3A_31, %scan3A_177 = %add3A_34, %scan3A_178 = %add3A_37, %scan3A_179 = %add3A_40, %scan3A_180 = %add3A_43) -> (vector<16xf32>, vector<16xf32>, vector<16xf32>, vector<16xf32>, vector<16xi32>, vector<16xi32>, vector<16xi32>, vector<16xi32>, vector<16xi32>, vector<16xi32>, vector<16xi32>, vector<16xi32>)  : i32 {
      %mul3A_181 = arith.constant 64 : i32
      %mul3A_182 = arith.muli %scan3A_168, %mul3A_181 : i32
      %add3A_183 = arith.constant 0 : i32
      %add3A_184 = arith.addi %mul3A_182, %add3A_183 : i32
      %get3A = arith.index_cast %add3A_184 : i32 to index
      %get3A_185 = tpu.vector_load %arg4[%get3A] {strides = array<i32>} : memref<32768xf32, #tpu.memory_space<vmem>>, vector<16xf32>,
      %gt3A = arith.cmpf ogt, %get3A_185, %scan3A_169 : vector<16xf32>
      %select_n3A_186 = arith.select %gt3A, %get3A_185, %scan3A_169 : vector<16xi1>, vector<16xf32>
      %select_n3A_187 = arith.select %gt3A, %scan3A_177, %scan3A_173 : vector<16xi1>, vector<16xi32>
      %add3A_188 = arith.constant 64 : i32
      %add3A_189 = vector.broadcast %add3A_188 : i32 to vector<16xi32>
      %add3A_190 = arith.addi %scan3A_177, %add3A_189 : vector<16xi32>
      %add3A_191 = arith.constant 16 : i32
      %add3A_192 = arith.addi %mul3A_182, %add3A_191 : i32
      %get3A_193 = arith.index_cast %add3A_192 : i32 to index
      %get3A_194 = tpu.vector_load %arg4[%get3A_193] {strides = array<i32>} : memref<32768xf32, #tpu.memory_space<vmem>>, vector<16xf32>,
      %gt3A_195 = arith.cmpf ogt, %get3A_194, %scan3A_170 : vector<16xf32>
      %select_n3A_196 = arith.select %gt3A_195, %get3A_194, %scan3A_170 : vector<16xi1>, vector<16xf32>
      %select_n3A_197 = arith.select %gt3A_195, %scan3A_178, %scan3A_174 : vector<16xi1>, vector<16xi32>
      %add3A_198 = arith.constant 64 : i32
      %add3A_199 = vector.broadcast %add3A_198 : i32 to vector<16xi32>
      %add3A_200 = arith.addi %scan3A_178, %add3A_199 : vector<16xi32>
      %add3A_201 = arith.constant 32 : i32
      %add3A_202 = arith.addi %mul3A_182, %add3A_201 : i32
      %get3A_203 = arith.index_cast %add3A_202 : i32 to index
      %get3A_204 = tpu.vector_load %arg4[%get3A_203] {strides = array<i32>} : memref<32768xf32, #tpu.memory_space<vmem>>, vector<16xf32>,
      %gt3A_205 = arith.cmpf ogt, %get3A_204, %scan3A_171 : vector<16xf32>
      %select_n3A_206 = arith.select %gt3A_205, %get3A_204, %scan3A_171 : vector<16xi1>, vector<16xf32>
      %select_n3A_207 = arith.select %gt3A_205, %scan3A_179, %scan3A_175 : vector<16xi1>, vector<16xi32>
      %add3A_208 = arith.constant 64 : i32
      %add3A_209 = vector.broadcast %add3A_208 : i32 to vector<16xi32>
      %add3A_210 = arith.addi %scan3A_179, %add3A_209 : vector<16xi32>
      %add3A_211 = arith.constant 48 : i32
      %add3A_212 = arith.addi %mul3A_182, %add3A_211 : i32
      %get3A_213 = arith.index_cast %add3A_212 : i32 to index
      %get3A_214 = tpu.vector_load %arg4[%get3A_213] {strides = array<i32>} : memref<32768xf32, #tpu.memory_space<vmem>>, vector<16xf32>,
      %gt3A_215 = arith.cmpf ogt, %get3A_214, %scan3A_172 : vector<16xf32>
      %select_n3A_216 = arith.select %gt3A_215, %get3A_214, %scan3A_172 : vector<16xi1>, vector<16xf32>
      %select_n3A_217 = arith.select %gt3A_215, %scan3A_180, %scan3A_176 : vector<16xi1>, vector<16xi32>
      %add3A_218 = arith.constant 64 : i32
      %add3A_219 = vector.broadcast %add3A_218 : i32 to vector<16xi32>
      %add3A_220 = arith.addi %scan3A_180, %add3A_219 : vector<16xi32>
      %scan3A_221 = arith.constant 1 : i32
      %scan3A_222 = arith.addi %scan3A_168, %scan3A_221 : i32
      %mul3A_223 = arith.constant 64 : i32
      %mul3A_224 = arith.muli %scan3A_222, %mul3A_223 : i32
      %add3A_225 = arith.constant 0 : i32
      %add3A_226 = arith.addi %mul3A_224, %add3A_225 : i32
      %get3A_227 = arith.index_cast %add3A_226 : i32 to index
      %get3A_228 = tpu.vector_load %arg4[%get3A_227] {strides = array<i32>} : memref<32768xf32, #tpu.memory_space<vmem>>, vector<16xf32>,
      %gt3A_229 = arith.cmpf ogt, %get3A_228, %select_n3A_186 : vector<16xf32>
      %select_n3A_230 = arith.select %gt3A_229, %get3A_228, %select_n3A_186 : vector<16xi1>, vector<16xf32>
      %select_n3A_231 = arith.select %gt3A_229, %add3A_190, %select_n3A_187 : vector<16xi1>, vector<16xi32>
      %add3A_232 = arith.constant 64 : i32
      %add3A_233 = vector.broadcast %add3A_232 : i32 to vector<16xi32>
      %add3A_234 = arith.addi %add3A_190, %add3A_233 : vector<16xi32>
      %add3A_235 = arith.constant 16 : i32
      %add3A_236 = arith.addi %mul3A_224, %add3A_235 : i32
      %get3A_237 = arith.index_cast %add3A_236 : i32 to index
      %get3A_238 = tpu.vector_load %arg4[%get3A_237] {strides = array<i32>} : memref<32768xf32, #tpu.memory_space<vmem>>, vector<16xf32>,
      %gt3A_239 = arith.cmpf ogt, %get3A_238, %select_n3A_196 : vector<16xf32>
      %select_n3A_240 = arith.select %gt3A_239, %get3A_238, %select_n3A_196 : vector<16xi1>, vector<16xf32>
      %select_n3A_241 = arith.select %gt3A_239, %add3A_200, %select_n3A_197 : vector<16xi1>, vector<16xi32>
      %add3A_242 = arith.constant 64 : i32
      %add3A_243 = vector.broadcast %add3A_242 : i32 to vector<16xi32>
      %add3A_244 = arith.addi %add3A_200, %add3A_243 : vector<16xi32>
      %add3A_245 = arith.constant 32 : i32
      %add3A_246 = arith.addi %mul3A_224, %add3A_245 : i32
      %get3A_247 = arith.index_cast %add3A_246 : i32 to index
      %get3A_248 = tpu.vector_load %arg4[%get3A_247] {strides = array<i32>} : memref<32768xf32, #tpu.memory_space<vmem>>, vector<16xf32>,
      %gt3A_249 = arith.cmpf ogt, %get3A_248, %select_n3A_206 : vector<16xf32>
      %select_n3A_250 = arith.select %gt3A_249, %get3A_248, %select_n3A_206 : vector<16xi1>, vector<16xf32>
      %select_n3A_251 = arith.select %gt3A_249, %add3A_210, %select_n3A_207 : vector<16xi1>, vector<16xi32>
      %add3A_252 = arith.constant 64 : i32
      %add3A_253 = vector.broadcast %add3A_252 : i32 to vector<16xi32>
      %add3A_254 = arith.addi %add3A_210, %add3A_253 : vector<16xi32>
      %add3A_255 = arith.constant 48 : i32
      %add3A_256 = arith.addi %mul3A_224, %add3A_255 : i32
      %get3A_257 = arith.index_cast %add3A_256 : i32 to index
      %get3A_258 = tpu.vector_load %arg4[%get3A_257] {strides = array<i32>} : memref<32768xf32, #tpu.memory_space<vmem>>, vector<16xf32>,
      %gt3A_259 = arith.cmpf ogt, %get3A_258, %select_n3A_216 : vector<16xf32>
      %select_n3A_260 = arith.select %gt3A_259, %get3A_258, %select_n3A_216 : vector<16xi1>, vector<16xf32>
      %select_n3A_261 = arith.select %gt3A_259, %add3A_220, %select_n3A_217 : vector<16xi1>, vector<16xi32>
      %add3A_262 = arith.constant 64 : i32
      %add3A_263 = vector.broadcast %add3A_262 : i32 to vector<16xi32>
      %add3A_264 = arith.addi %add3A_220, %add3A_263 : vector<16xi32>
      %scan3A_265 = arith.constant 2 : i32
      %scan3A_266 = arith.addi %scan3A_168, %scan3A_265 : i32
      %mul3A_267 = arith.constant 64 : i32
      %mul3A_268 = arith.muli %scan3A_266, %mul3A_267 : i32
      %add3A_269 = arith.constant 0 : i32
      %add3A_270 = arith.addi %mul3A_268, %add3A_269 : i32
      %get3A_271 = arith.index_cast %add3A_270 : i32 to index
      %get3A_272 = tpu.vector_load %arg4[%get3A_271] {strides = array<i32>} : memref<32768xf32, #tpu.memory_space<vmem>>, vector<16xf32>,
      %gt3A_273 = arith.cmpf ogt, %get3A_272, %select_n3A_230 : vector<16xf32>
      %select_n3A_274 = arith.select %gt3A_273, %get3A_272, %select_n3A_230 : vector<16xi1>, vector<16xf32>
      %select_n3A_275 = arith.select %gt3A_273, %add3A_234, %select_n3A_231 : vector<16xi1>, vector<16xi32>
      %add3A_276 = arith.constant 64 : i32
      %add3A_277 = vector.broadcast %add3A_276 : i32 to vector<16xi32>
      %add3A_278 = arith.addi %add3A_234, %add3A_277 : vector<16xi32>
      %add3A_279 = arith.constant 16 : i32
      %add3A_280 = arith.addi %mul3A_268, %add3A_279 : i32
      %get3A_281 = arith.index_cast %add3A_280 : i32 to index
      %get3A_282 = tpu.vector_load %arg4[%get3A_281] {strides = array<i32>} : memref<32768xf32, #tpu.memory_space<vmem>>, vector<16xf32>,
      %gt3A_283 = arith.cmpf ogt, %get3A_282, %select_n3A_240 : vector<16xf32>
      %select_n3A_284 = arith.select %gt3A_283, %get3A_282, %select_n3A_240 : vector<16xi1>, vector<16xf32>
      %select_n3A_285 = arith.select %gt3A_283, %add3A_244, %select_n3A_241 : vector<16xi1>, vector<16xi32>
      %add3A_286 = arith.constant 64 : i32
      %add3A_287 = vector.broadcast %add3A_286 : i32 to vector<16xi32>
      %add3A_288 = arith.addi %add3A_244, %add3A_287 : vector<16xi32>
      %add3A_289 = arith.constant 32 : i32
      %add3A_290 = arith.addi %mul3A_268, %add3A_289 : i32
      %get3A_291 = arith.index_cast %add3A_290 : i32 to index
      %get3A_292 = tpu.vector_load %arg4[%get3A_291] {strides = array<i32>} : memref<32768xf32, #tpu.memory_space<vmem>>, vector<16xf32>,
      %gt3A_293 = arith.cmpf ogt, %get3A_292, %select_n3A_250 : vector<16xf32>
      %select_n3A_294 = arith.select %gt3A_293, %get3A_292, %select_n3A_250 : vector<16xi1>, vector<16xf32>
      %select_n3A_295 = arith.select %gt3A_293, %add3A_254, %select_n3A_251 : vector<16xi1>, vector<16xi32>
      %add3A_296 = arith.constant 64 : i32
      %add3A_297 = vector.broadcast %add3A_296 : i32 to vector<16xi32>
      %add3A_298 = arith.addi %add3A_254, %add3A_297 : vector<16xi32>
      %add3A_299 = arith.constant 48 : i32
      %add3A_300 = arith.addi %mul3A_268, %add3A_299 : i32
      %get3A_301 = arith.index_cast %add3A_300 : i32 to index
      %get3A_302 = tpu.vector_load %arg4[%get3A_301] {strides = array<i32>} : memref<32768xf32, #tpu.memory_space<vmem>>, vector<16xf32>,
      %gt3A_303 = arith.cmpf ogt, %get3A_302, %select_n3A_260 : vector<16xf32>
      %select_n3A_304 = arith.select %gt3A_303, %get3A_302, %select_n3A_260 : vector<16xi1>, vector<16xf32>
      %select_n3A_305 = arith.select %gt3A_303, %add3A_264, %select_n3A_261 : vector<16xi1>, vector<16xi32>
      %add3A_306 = arith.constant 64 : i32
      %add3A_307 = vector.broadcast %add3A_306 : i32 to vector<16xi32>
      %add3A_308 = arith.addi %add3A_264, %add3A_307 : vector<16xi32>
      %scan3A_309 = arith.constant 3 : i32
      %scan3A_310 = arith.addi %scan3A_168, %scan3A_309 : i32
      %mul3A_311 = arith.constant 64 : i32
      %mul3A_312 = arith.muli %scan3A_310, %mul3A_311 : i32
      %add3A_313 = arith.constant 0 : i32
      %add3A_314 = arith.addi %mul3A_312, %add3A_313 : i32
      %get3A_315 = arith.index_cast %add3A_314 : i32 to index
      %get3A_316 = tpu.vector_load %arg4[%get3A_315] {strides = array<i32>} : memref<32768xf32, #tpu.memory_space<vmem>>, vector<16xf32>,
      %gt3A_317 = arith.cmpf ogt, %get3A_316, %select_n3A_274 : vector<16xf32>
      %select_n3A_318 = arith.select %gt3A_317, %get3A_316, %select_n3A_274 : vector<16xi1>, vector<16xf32>
      %select_n3A_319 = arith.select %gt3A_317, %add3A_278, %select_n3A_275 : vector<16xi1>, vector<16xi32>
      %add3A_320 = arith.constant 64 : i32
      %add3A_321 = vector.broadcast %add3A_320 : i32 to vector<16xi32>
      %add3A_322 = arith.addi %add3A_278, %add3A_321 : vector<16xi32>
      %add3A_323 = arith.constant 16 : i32
      %add3A_324 = arith.addi %mul3A_312, %add3A_323 : i32
      %get3A_325 = arith.index_cast %add3A_324 : i32 to index
      %get3A_326 = tpu.vector_load %arg4[%get3A_325] {strides = array<i32>} : memref<32768xf32, #tpu.memory_space<vmem>>, vector<16xf32>,
      %gt3A_327 = arith.cmpf ogt, %get3A_326, %select_n3A_284 : vector<16xf32>
      %select_n3A_328 = arith.select %gt3A_327, %get3A_326, %select_n3A_284 : vector<16xi1>, vector<16xf32>
      %select_n3A_329 = arith.select %gt3A_327, %add3A_288, %select_n3A_285 : vector<16xi1>, vector<16xi32>
      %add3A_330 = arith.constant 64 : i32
      %add3A_331 = vector.broadcast %add3A_330 : i32 to vector<16xi32>
      %add3A_332 = arith.addi %add3A_288, %add3A_331 : vector<16xi32>
      %add3A_333 = arith.constant 32 : i32
      %add3A_334 = arith.addi %mul3A_312, %add3A_333 : i32
      %get3A_335 = arith.index_cast %add3A_334 : i32 to index
      %get3A_336 = tpu.vector_load %arg4[%get3A_335] {strides = array<i32>} : memref<32768xf32, #tpu.memory_space<vmem>>, vector<16xf32>,
      %gt3A_337 = arith.cmpf ogt, %get3A_336, %select_n3A_294 : vector<16xf32>
      %select_n3A_338 = arith.select %gt3A_337, %get3A_336, %select_n3A_294 : vector<16xi1>, vector<16xf32>
      %select_n3A_339 = arith.select %gt3A_337, %add3A_298, %select_n3A_295 : vector<16xi1>, vector<16xi32>
      %add3A_340 = arith.constant 64 : i32
      %add3A_341 = vector.broadcast %add3A_340 : i32 to vector<16xi32>
      %add3A_342 = arith.addi %add3A_298, %add3A_341 : vector<16xi32>
      %add3A_343 = arith.constant 48 : i32
      %add3A_344 = arith.addi %mul3A_312, %add3A_343 : i32
      %get3A_345 = arith.index_cast %add3A_344 : i32 to index
      %get3A_346 = tpu.vector_load %arg4[%get3A_345] {strides = array<i32>} : memref<32768xf32, #tpu.memory_space<vmem>>, vector<16xf32>,
      %gt3A_347 = arith.cmpf ogt, %get3A_346, %select_n3A_304 : vector<16xf32>
      %select_n3A_348 = arith.select %gt3A_347, %get3A_346, %select_n3A_304 : vector<16xi1>, vector<16xf32>
      %select_n3A_349 = arith.select %gt3A_347, %add3A_308, %select_n3A_305 : vector<16xi1>, vector<16xi32>
      %add3A_350 = arith.constant 64 : i32
      %add3A_351 = vector.broadcast %add3A_350 : i32 to vector<16xi32>
      %add3A_352 = arith.addi %add3A_308, %add3A_351 : vector<16xi32>
      scf.yield %select_n3A_318, %select_n3A_328, %select_n3A_338, %select_n3A_348, %select_n3A_319, %select_n3A_329, %select_n3A_339, %select_n3A_349, %add3A_322, %add3A_332, %add3A_342, %add3A_352 : vector<16xf32>, vector<16xf32>, vector<16xf32>, vector<16xf32>, vector<16xi32>, vector<16xi32>, vector<16xi32>, vector<16xi32>, vector<16xi32>, vector<16xi32>, vector<16xi32>, vector<16xi32>
    }
    %scan3A_49 = arith.constant 512 : i32
    %max3A = arith.maximumf %scan3A_48#0, %scan3A_48#1 : vector<16xf32>
    %max3A_50 = arith.maximumf %max3A, %scan3A_48#2 : vector<16xf32>
    %max3A_51 = arith.maximumf %max3A_50, %scan3A_48#3 : vector<16xf32>
    %reduce_max3A = arith.constant true
    %reduce_max3A_52 = vector.broadcast %reduce_max3A : i1 to vector<16xi1>
    %reduce_max3A_53 = tpu.scan <max>, %max3A_51 masked %reduce_max3A_52 : vector<16xf32>, vector<16xi1> -> vector<16xf32>
    %reduce_max3A_54 = vector.extract %reduce_max3A_53[15] : f32 from vector<16xf32>
    %broadcast_in_dim3A_55 = arith.constant 1073741824 : i32
    %broadcast_in_dim3A_56 = vector.broadcast %broadcast_in_dim3A_55 : i32 to vector<16xi32>
    %eq3A = vector.broadcast %reduce_max3A_54 : f32 to vector<16xf32>
    %eq3A_57 = arith.cmpf oeq, %scan3A_48#0, %eq3A : vector<16xf32>
    %jit3A = arith.constant 1073741824 : i32
    %broadcast_in_dim3A_58 = vector.broadcast %jit3A : i32 to vector<16xi32>
    %select_n3A = arith.select %eq3A_57, %scan3A_48#4, %broadcast_in_dim3A_58 : vector<16xi1>, vector<16xi32>
    %min3A = arith.minsi %broadcast_in_dim3A_56, %select_n3A : vector<16xi32>
    %eq3A_59 = vector.broadcast %reduce_max3A_54 : f32 to vector<16xf32>
    %eq3A_60 = arith.cmpf oeq, %scan3A_48#1, %eq3A_59 : vector<16xf32>
    %jit3A_61 = arith.constant 1073741824 : i32
    %broadcast_in_dim3A_62 = vector.broadcast %jit3A_61 : i32 to vector<16xi32>
    %select_n3A_63 = arith.select %eq3A_60, %scan3A_48#5, %broadcast_in_dim3A_62 : vector<16xi1>, vector<16xi32>
    %min3A_64 = arith.minsi %min3A, %select_n3A_63 : vector<16xi32>
    %eq3A_65 = vector.broadcast %reduce_max3A_54 : f32 to vector<16xf32>
    %eq3A_66 = arith.cmpf oeq, %scan3A_48#2, %eq3A_65 : vector<16xf32>
    %jit3A_67 = arith.constant 1073741824 : i32
    %broadcast_in_dim3A_68 = vector.broadcast %jit3A_67 : i32 to vector<16xi32>
    %select_n3A_69 = arith.select %eq3A_66, %scan3A_48#6, %broadcast_in_dim3A_68 : vector<16xi1>, vector<16xi32>
    %min3A_70 = arith.minsi %min3A_64, %select_n3A_69 : vector<16xi32>
    %eq3A_71 = vector.broadcast %reduce_max3A_54 : f32 to vector<16xf32>
    %eq3A_72 = arith.cmpf oeq, %scan3A_48#3, %eq3A_71 : vector<16xf32>
    %jit3A_73 = arith.constant 1073741824 : i32
    %broadcast_in_dim3A_74 = vector.broadcast %jit3A_73 : i32 to vector<16xi32>
    %select_n3A_75 = arith.select %eq3A_72, %scan3A_48#7, %broadcast_in_dim3A_74 : vector<16xi1>, vector<16xi32>
    %min3A_76 = arith.minsi %min3A_70, %select_n3A_75 : vector<16xi32>
    %reduce_min3A = arith.constant true
    %reduce_min3A_77 = vector.broadcast %reduce_min3A : i1 to vector<16xi1>
    %reduce_min3A_78 = arith.constant -2147483648 : i32
    %reduce_min3A_79 = vector.broadcast %reduce_min3A_78 : i32 to vector<16xi32>
    %reduce_min3A_80 = arith.xori %min3A_76, %reduce_min3A_79 : vector<16xi32>
    %reduce_min3A_81 = tpu.scan <min>, %reduce_min3A_80 masked %reduce_min3A_77 : vector<16xi32>, vector<16xi1> -> vector<16xi32>
    %reduce_min3A_82 = arith.xori %reduce_min3A_81, %reduce_min3A_79 : vector<16xi32>
    %reduce_min3A_83 = vector.extract %reduce_min3A_82[15] : i32 from vector<16xi32>
    %iota3A_84 = tpu.iota {dimensions = array<i32: 0>} : vector<16xi32>
    %eq3A_85 = arith.constant 6 : i32
    %eq3A_86 = vector.broadcast %eq3A_85 : i32 to vector<16xi32>
    %eq3A_87 = arith.cmpi eq, %iota3A_84, %eq3A_86 : vector<16xi32>
    %broadcast_in_dim3A_88 = vector.broadcast %reduce_min3A_83 : i32 to vector<16xi32>
    %select_n3A_89 = arith.select %eq3A_87, %broadcast_in_dim3A_88, %scan3A_20 : vector<16xi1>, vector<16xi32>
    %dma_wait3A_90 = arith.constant 0 : i32
    %dma_wait3A_91 = tpu.memref_slice %arg2[%mul3A_2, %dma_wait3A_90] : memref<2048x32768xf32, #tpu.memory_space<hbm>> -> memref<1x32768xf32, #tpu.memory_space<hbm>>
    %dma_wait3A_92 = tpu.memref_squeeze %dma_wait3A_91 : memref<1x32768xf32, #tpu.memory_space<hbm>> -> memref<32768xf32, #tpu.memory_space<hbm>>
    %dma_wait3A_93 = arith.constant 0 : i32
    %dma_wait3A_94 = tpu.memref_slice %arg2[%mul3A_2, %dma_wait3A_93] : memref<2048x32768xf32, #tpu.memory_space<hbm>> -> memref<1x32768xf32, #tpu.memory_space<hbm>>
    %dma_wait3A_95 = tpu.memref_squeeze %dma_wait3A_94 : memref<1x32768xf32, #tpu.memory_space<hbm>> -> memref<32768xf32, #tpu.memory_space<hbm>>
    tpu.wait_dma2 semaphore(%arg8 : memref<!tpu.dma_semaphore, #tpu.memory_space<semaphore_mem>>) src(%dma_wait3A_95 : memref<32768xf32, #tpu.memory_space<hbm>>) dst(%arg5 : memref<32768xf32, #tpu.memory_space<vmem>>)
    %iota3A_96 = tpu.iota {dimensions = array<i32: 0>} : vector<16xi32>
    %broadcast_in_dim3A_97 = arith.constant 0xFF800000 : f32
    %broadcast_in_dim3A_98 = vector.broadcast %broadcast_in_dim3A_97 : f32 to vector<16xf32>
    %mul3A_99 = arith.constant 0 : i32
    %mul3A_100 = vector.broadcast %mul3A_99 : i32 to vector<16xi32>
    %mul3A_101 = arith.muli %iota3A_96, %mul3A_100 : vector<16xi32>
    %add3A_102 = arith.constant 0 : i32
    %add3A_103 = vector.broadcast %add3A_102 : i32 to vector<16xi32>
    %add3A_104 = arith.addi %iota3A_96, %add3A_103 : vector<16xi32>
    %add3A_105 = arith.constant 16 : i32
    %add3A_106 = vector.broadcast %add3A_105 : i32 to vector<16xi32>
    %add3A_107 = arith.addi %iota3A_96, %add3A_106 : vector<16xi32>
    %add3A_108 = arith.constant 32 : i32
    %add3A_109 = vector.broadcast %add3A_108 : i32 to vector<16xi32>
    %add3A_110 = arith.addi %iota3A_96, %add3A_109 : vector<16xi32>
    %add3A_111 = arith.constant 48 : i32
    %add3A_112 = vector.broadcast %add3A_111 : i32 to vector<16xi32>
    %add3A_113 = arith.addi %iota3A_96, %add3A_112 : vector<16xi32>
    %scan3A_114 = arith.constant 0 : i32
    %scan3A_115 = arith.constant 512 : i32
    %scan3A_116 = arith.addi %scan3A_114, %scan3A_115 : i32
    %scan3A_117 = arith.constant 4 : i32
    %scan3A_118:12 = scf.for %scan3A_168 = %scan3A_114 to %scan3A_116 step %scan3A_117 iter_args(%scan3A_169 = %broadcast_in_dim3A_98, %scan3A_170 = %broadcast_in_dim3A_98, %scan3A_171 = %broadcast_in_dim3A_98, %scan3A_172 = %broadcast_in_dim3A_98, %scan3A_173 = %mul3A_101, %scan3A_174 = %mul3A_101, %scan3A_175 = %mul3A_101, %scan3A_176 = %mul3A_101, %scan3A_177 = %add3A_104, %scan3A_178 = %add3A_107, %scan3A_179 = %add3A_110, %scan3A_180 = %add3A_113) -> (vector<16xf32>, vector<16xf32>, vector<16xf32>, vector<16xf32>, vector<16xi32>, vector<16xi32>, vector<16xi32>, vector<16xi32>, vector<16xi32>, vector<16xi32>, vector<16xi32>, vector<16xi32>)  : i32 {
      %mul3A_181 = arith.constant 64 : i32
      %mul3A_182 = arith.muli %scan3A_168, %mul3A_181 : i32
      %add3A_183 = arith.constant 0 : i32
      %add3A_184 = arith.addi %mul3A_182, %add3A_183 : i32
      %get3A = arith.index_cast %add3A_184 : i32 to index
      %get3A_185 = tpu.vector_load %arg5[%get3A] {strides = array<i32>} : memref<32768xf32, #tpu.memory_space<vmem>>, vector<16xf32>,
      %gt3A = arith.cmpf ogt, %get3A_185, %scan3A_169 : vector<16xf32>
      %select_n3A_186 = arith.select %gt3A, %get3A_185, %scan3A_169 : vector<16xi1>, vector<16xf32>
      %select_n3A_187 = arith.select %gt3A, %scan3A_177, %scan3A_173 : vector<16xi1>, vector<16xi32>
      %add3A_188 = arith.constant 64 : i32
      %add3A_189 = vector.broadcast %add3A_188 : i32 to vector<16xi32>
      %add3A_190 = arith.addi %scan3A_177, %add3A_189 : vector<16xi32>
      %add3A_191 = arith.constant 16 : i32
      %add3A_192 = arith.addi %mul3A_182, %add3A_191 : i32
      %get3A_193 = arith.index_cast %add3A_192 : i32 to index
      %get3A_194 = tpu.vector_load %arg5[%get3A_193] {strides = array<i32>} : memref<32768xf32, #tpu.memory_space<vmem>>, vector<16xf32>,
      %gt3A_195 = arith.cmpf ogt, %get3A_194, %scan3A_170 : vector<16xf32>
      %select_n3A_196 = arith.select %gt3A_195, %get3A_194, %scan3A_170 : vector<16xi1>, vector<16xf32>
      %select_n3A_197 = arith.select %gt3A_195, %scan3A_178, %scan3A_174 : vector<16xi1>, vector<16xi32>
      %add3A_198 = arith.constant 64 : i32
      %add3A_199 = vector.broadcast %add3A_198 : i32 to vector<16xi32>
      %add3A_200 = arith.addi %scan3A_178, %add3A_199 : vector<16xi32>
      %add3A_201 = arith.constant 32 : i32
      %add3A_202 = arith.addi %mul3A_182, %add3A_201 : i32
      %get3A_203 = arith.index_cast %add3A_202 : i32 to index
      %get3A_204 = tpu.vector_load %arg5[%get3A_203] {strides = array<i32>} : memref<32768xf32, #tpu.memory_space<vmem>>, vector<16xf32>,
      %gt3A_205 = arith.cmpf ogt, %get3A_204, %scan3A_171 : vector<16xf32>
      %select_n3A_206 = arith.select %gt3A_205, %get3A_204, %scan3A_171 : vector<16xi1>, vector<16xf32>
      %select_n3A_207 = arith.select %gt3A_205, %scan3A_179, %scan3A_175 : vector<16xi1>, vector<16xi32>
      %add3A_208 = arith.constant 64 : i32
      %add3A_209 = vector.broadcast %add3A_208 : i32 to vector<16xi32>
      %add3A_210 = arith.addi %scan3A_179, %add3A_209 : vector<16xi32>
      %add3A_211 = arith.constant 48 : i32
      %add3A_212 = arith.addi %mul3A_182, %add3A_211 : i32
      %get3A_213 = arith.index_cast %add3A_212 : i32 to index
      %get3A_214 = tpu.vector_load %arg5[%get3A_213] {strides = array<i32>} : memref<32768xf32, #tpu.memory_space<vmem>>, vector<16xf32>,
      %gt3A_215 = arith.cmpf ogt, %get3A_214, %scan3A_172 : vector<16xf32>
      %select_n3A_216 = arith.select %gt3A_215, %get3A_214, %scan3A_172 : vector<16xi1>, vector<16xf32>
      %select_n3A_217 = arith.select %gt3A_215, %scan3A_180, %scan3A_176 : vector<16xi1>, vector<16xi32>
      %add3A_218 = arith.constant 64 : i32
      %add3A_219 = vector.broadcast %add3A_218 : i32 to vector<16xi32>
      %add3A_220 = arith.addi %scan3A_180, %add3A_219 : vector<16xi32>
      %scan3A_221 = arith.constant 1 : i32
      %scan3A_222 = arith.addi %scan3A_168, %scan3A_221 : i32
      %mul3A_223 = arith.constant 64 : i32
      %mul3A_224 = arith.muli %scan3A_222, %mul3A_223 : i32
      %add3A_225 = arith.constant 0 : i32
      %add3A_226 = arith.addi %mul3A_224, %add3A_225 : i32
      %get3A_227 = arith.index_cast %add3A_226 : i32 to index
      %get3A_228 = tpu.vector_load %arg5[%get3A_227] {strides = array<i32>} : memref<32768xf32, #tpu.memory_space<vmem>>, vector<16xf32>,
      %gt3A_229 = arith.cmpf ogt, %get3A_228, %select_n3A_186 : vector<16xf32>
      %select_n3A_230 = arith.select %gt3A_229, %get3A_228, %select_n3A_186 : vector<16xi1>, vector<16xf32>
      %select_n3A_231 = arith.select %gt3A_229, %add3A_190, %select_n3A_187 : vector<16xi1>, vector<16xi32>
      %add3A_232 = arith.constant 64 : i32
      %add3A_233 = vector.broadcast %add3A_232 : i32 to vector<16xi32>
      %add3A_234 = arith.addi %add3A_190, %add3A_233 : vector<16xi32>
      %add3A_235 = arith.constant 16 : i32
      %add3A_236 = arith.addi %mul3A_224, %add3A_235 : i32
      %get3A_237 = arith.index_cast %add3A_236 : i32 to index
      %get3A_238 = tpu.vector_load %arg5[%get3A_237] {strides = array<i32>} : memref<32768xf32, #tpu.memory_space<vmem>>, vector<16xf32>,
      %gt3A_239 = arith.cmpf ogt, %get3A_238, %select_n3A_196 : vector<16xf32>
      %select_n3A_240 = arith.select %gt3A_239, %get3A_238, %select_n3A_196 : vector<16xi1>, vector<16xf32>
      %select_n3A_241 = arith.select %gt3A_239, %add3A_200, %select_n3A_197 : vector<16xi1>, vector<16xi32>
      %add3A_242 = arith.constant 64 : i32
      %add3A_243 = vector.broadcast %add3A_242 : i32 to vector<16xi32>
      %add3A_244 = arith.addi %add3A_200, %add3A_243 : vector<16xi32>
      %add3A_245 = arith.constant 32 : i32
      %add3A_246 = arith.addi %mul3A_224, %add3A_245 : i32
      %get3A_247 = arith.index_cast %add3A_246 : i32 to index
      %get3A_248 = tpu.vector_load %arg5[%get3A_247] {strides = array<i32>} : memref<32768xf32, #tpu.memory_space<vmem>>, vector<16xf32>,
      %gt3A_249 = arith.cmpf ogt, %get3A_248, %select_n3A_206 : vector<16xf32>
      %select_n3A_250 = arith.select %gt3A_249, %get3A_248, %select_n3A_206 : vector<16xi1>, vector<16xf32>
      %select_n3A_251 = arith.select %gt3A_249, %add3A_210, %select_n3A_207 : vector<16xi1>, vector<16xi32>
      %add3A_252 = arith.constant 64 : i32
      %add3A_253 = vector.broadcast %add3A_252 : i32 to vector<16xi32>
      %add3A_254 = arith.addi %add3A_210, %add3A_253 : vector<16xi32>
      %add3A_255 = arith.constant 48 : i32
      %add3A_256 = arith.addi %mul3A_224, %add3A_255 : i32
      %get3A_257 = arith.index_cast %add3A_256 : i32 to index
      %get3A_258 = tpu.vector_load %arg5[%get3A_257] {strides = array<i32>} : memref<32768xf32, #tpu.memory_space<vmem>>, vector<16xf32>,
      %gt3A_259 = arith.cmpf ogt, %get3A_258, %select_n3A_216 : vector<16xf32>
      %select_n3A_260 = arith.select %gt3A_259, %get3A_258, %select_n3A_216 : vector<16xi1>, vector<16xf32>
      %select_n3A_261 = arith.select %gt3A_259, %add3A_220, %select_n3A_217 : vector<16xi1>, vector<16xi32>
      %add3A_262 = arith.constant 64 : i32
      %add3A_263 = vector.broadcast %add3A_262 : i32 to vector<16xi32>
      %add3A_264 = arith.addi %add3A_220, %add3A_263 : vector<16xi32>
      %scan3A_265 = arith.constant 2 : i32
      %scan3A_266 = arith.addi %scan3A_168, %scan3A_265 : i32
      %mul3A_267 = arith.constant 64 : i32
      %mul3A_268 = arith.muli %scan3A_266, %mul3A_267 : i32
      %add3A_269 = arith.constant 0 : i32
      %add3A_270 = arith.addi %mul3A_268, %add3A_269 : i32
      %get3A_271 = arith.index_cast %add3A_270 : i32 to index
      %get3A_272 = tpu.vector_load %arg5[%get3A_271] {strides = array<i32>} : memref<32768xf32, #tpu.memory_space<vmem>>, vector<16xf32>,
      %gt3A_273 = arith.cmpf ogt, %get3A_272, %select_n3A_230 : vector<16xf32>
      %select_n3A_274 = arith.select %gt3A_273, %get3A_272, %select_n3A_230 : vector<16xi1>, vector<16xf32>
      %select_n3A_275 = arith.select %gt3A_273, %add3A_234, %select_n3A_231 : vector<16xi1>, vector<16xi32>
      %add3A_276 = arith.constant 64 : i32
      %add3A_277 = vector.broadcast %add3A_276 : i32 to vector<16xi32>
      %add3A_278 = arith.addi %add3A_234, %add3A_277 : vector<16xi32>
      %add3A_279 = arith.constant 16 : i32
      %add3A_280 = arith.addi %mul3A_268, %add3A_279 : i32
      %get3A_281 = arith.index_cast %add3A_280 : i32 to index
      %get3A_282 = tpu.vector_load %arg5[%get3A_281] {strides = array<i32>} : memref<32768xf32, #tpu.memory_space<vmem>>, vector<16xf32>,
      %gt3A_283 = arith.cmpf ogt, %get3A_282, %select_n3A_240 : vector<16xf32>
      %select_n3A_284 = arith.select %gt3A_283, %get3A_282, %select_n3A_240 : vector<16xi1>, vector<16xf32>
      %select_n3A_285 = arith.select %gt3A_283, %add3A_244, %select_n3A_241 : vector<16xi1>, vector<16xi32>
      %add3A_286 = arith.constant 64 : i32
      %add3A_287 = vector.broadcast %add3A_286 : i32 to vector<16xi32>
      %add3A_288 = arith.addi %add3A_244, %add3A_287 : vector<16xi32>
      %add3A_289 = arith.constant 32 : i32
      %add3A_290 = arith.addi %mul3A_268, %add3A_289 : i32
      %get3A_291 = arith.index_cast %add3A_290 : i32 to index
      %get3A_292 = tpu.vector_load %arg5[%get3A_291] {strides = array<i32>} : memref<32768xf32, #tpu.memory_space<vmem>>, vector<16xf32>,
      %gt3A_293 = arith.cmpf ogt, %get3A_292, %select_n3A_250 : vector<16xf32>
      %select_n3A_294 = arith.select %gt3A_293, %get3A_292, %select_n3A_250 : vector<16xi1>, vector<16xf32>
      %select_n3A_295 = arith.select %gt3A_293, %add3A_254, %select_n3A_251 : vector<16xi1>, vector<16xi32>
      %add3A_296 = arith.constant 64 : i32
      %add3A_297 = vector.broadcast %add3A_296 : i32 to vector<16xi32>
      %add3A_298 = arith.addi %add3A_254, %add3A_297 : vector<16xi32>
      %add3A_299 = arith.constant 48 : i32
      %add3A_300 = arith.addi %mul3A_268, %add3A_299 : i32
      %get3A_301 = arith.index_cast %add3A_300 : i32 to index
      %get3A_302 = tpu.vector_load %arg5[%get3A_301] {strides = array<i32>} : memref<32768xf32, #tpu.memory_space<vmem>>, vector<16xf32>,
      %gt3A_303 = arith.cmpf ogt, %get3A_302, %select_n3A_260 : vector<16xf32>
      %select_n3A_304 = arith.select %gt3A_303, %get3A_302, %select_n3A_260 : vector<16xi1>, vector<16xf32>
      %select_n3A_305 = arith.select %gt3A_303, %add3A_264, %select_n3A_261 : vector<16xi1>, vector<16xi32>
      %add3A_306 = arith.constant 64 : i32
      %add3A_307 = vector.broadcast %add3A_306 : i32 to vector<16xi32>
      %add3A_308 = arith.addi %add3A_264, %add3A_307 : vector<16xi32>
      %scan3A_309 = arith.constant 3 : i32
      %scan3A_310 = arith.addi %scan3A_168, %scan3A_309 : i32
      %mul3A_311 = arith.constant 64 : i32
      %mul3A_312 = arith.muli %scan3A_310, %mul3A_311 : i32
      %add3A_313 = arith.constant 0 : i32
      %add3A_314 = arith.addi %mul3A_312, %add3A_313 : i32
      %get3A_315 = arith.index_cast %add3A_314 : i32 to index
      %get3A_316 = tpu.vector_load %arg5[%get3A_315] {strides = array<i32>} : memref<32768xf32, #tpu.memory_space<vmem>>, vector<16xf32>,
      %gt3A_317 = arith.cmpf ogt, %get3A_316, %select_n3A_274 : vector<16xf32>
      %select_n3A_318 = arith.select %gt3A_317, %get3A_316, %select_n3A_274 : vector<16xi1>, vector<16xf32>
      %select_n3A_319 = arith.select %gt3A_317, %add3A_278, %select_n3A_275 : vector<16xi1>, vector<16xi32>
      %add3A_320 = arith.constant 64 : i32
      %add3A_321 = vector.broadcast %add3A_320 : i32 to vector<16xi32>
      %add3A_322 = arith.addi %add3A_278, %add3A_321 : vector<16xi32>
      %add3A_323 = arith.constant 16 : i32
      %add3A_324 = arith.addi %mul3A_312, %add3A_323 : i32
      %get3A_325 = arith.index_cast %add3A_324 : i32 to index
      %get3A_326 = tpu.vector_load %arg5[%get3A_325] {strides = array<i32>} : memref<32768xf32, #tpu.memory_space<vmem>>, vector<16xf32>,
      %gt3A_327 = arith.cmpf ogt, %get3A_326, %select_n3A_284 : vector<16xf32>
      %select_n3A_328 = arith.select %gt3A_327, %get3A_326, %select_n3A_284 : vector<16xi1>, vector<16xf32>
      %select_n3A_329 = arith.select %gt3A_327, %add3A_288, %select_n3A_285 : vector<16xi1>, vector<16xi32>
      %add3A_330 = arith.constant 64 : i32
      %add3A_331 = vector.broadcast %add3A_330 : i32 to vector<16xi32>
      %add3A_332 = arith.addi %add3A_288, %add3A_331 : vector<16xi32>
      %add3A_333 = arith.constant 32 : i32
      %add3A_334 = arith.addi %mul3A_312, %add3A_333 : i32
      %get3A_335 = arith.index_cast %add3A_334 : i32 to index
      %get3A_336 = tpu.vector_load %arg5[%get3A_335] {strides = array<i32>} : memref<32768xf32, #tpu.memory_space<vmem>>, vector<16xf32>,
      %gt3A_337 = arith.cmpf ogt, %get3A_336, %select_n3A_294 : vector<16xf32>
      %select_n3A_338 = arith.select %gt3A_337, %get3A_336, %select_n3A_294 : vector<16xi1>, vector<16xf32>
      %select_n3A_339 = arith.select %gt3A_337, %add3A_298, %select_n3A_295 : vector<16xi1>, vector<16xi32>
      %add3A_340 = arith.constant 64 : i32
      %add3A_341 = vector.broadcast %add3A_340 : i32 to vector<16xi32>
      %add3A_342 = arith.addi %add3A_298, %add3A_341 : vector<16xi32>
      %add3A_343 = arith.constant 48 : i32
      %add3A_344 = arith.addi %mul3A_312, %add3A_343 : i32
      %get3A_345 = arith.index_cast %add3A_344 : i32 to index
      %get3A_346 = tpu.vector_load %arg5[%get3A_345] {strides = array<i32>} : memref<32768xf32, #tpu.memory_space<vmem>>, vector<16xf32>,
      %gt3A_347 = arith.cmpf ogt, %get3A_346, %select_n3A_304 : vector<16xf32>
      %select_n3A_348 = arith.select %gt3A_347, %get3A_346, %select_n3A_304 : vector<16xi1>, vector<16xf32>
      %select_n3A_349 = arith.select %gt3A_347, %add3A_308, %select_n3A_305 : vector<16xi1>, vector<16xi32>
      %add3A_350 = arith.constant 64 : i32
      %add3A_351 = vector.broadcast %add3A_350 : i32 to vector<16xi32>
      %add3A_352 = arith.addi %add3A_308, %add3A_351 : vector<16xi32>
      scf.yield %select_n3A_318, %select_n3A_328, %select_n3A_338, %select_n3A_348, %select_n3A_319, %select_n3A_329, %select_n3A_339, %select_n3A_349, %add3A_322, %add3A_332, %add3A_342, %add3A_352 : vector<16xf32>, vector<16xf32>, vector<16xf32>, vector<16xf32>, vector<16xi32>, vector<16xi32>, vector<16xi32>, vector<16xi32>, vector<16xi32>, vector<16xi32>, vector<16xi32>, vector<16xi32>
    }
    %scan3A_119 = arith.constant 512 : i32
    %max3A_120 = arith.maximumf %scan3A_118#0, %scan3A_118#1 : vector<16xf32>
    %max3A_121 = arith.maximumf %max3A_120, %scan3A_118#2 : vector<16xf32>
    %max3A_122 = arith.maximumf %max3A_121, %scan3A_118#3 : vector<16xf32>
    %reduce_max3A_123 = arith.constant true
    %reduce_max3A_124 = vector.broadcast %reduce_max3A_123 : i1 to vector<16xi1>
    %reduce_max3A_125 = tpu.scan <max>, %max3A_122 masked %reduce_max3A_124 : vector<16xf32>, vector<16xi1> -> vector<16xf32>
    %reduce_max3A_126 = vector.extract %reduce_max3A_125[15] : f32 from vector<16xf32>
    %broadcast_in_dim3A_127 = arith.constant 1073741824 : i32
    %broadcast_in_dim3A_128 = vector.broadcast %broadcast_in_dim3A_127 : i32 to vector<16xi32>
    %eq3A_129 = vector.broadcast %reduce_max3A_126 : f32 to vector<16xf32>
    %eq3A_130 = arith.cmpf oeq, %scan3A_118#0, %eq3A_129 : vector<16xf32>
    %jit3A_131 = arith.constant 1073741824 : i32
    %broadcast_in_dim3A_132 = vector.broadcast %jit3A_131 : i32 to vector<16xi32>
    %select_n3A_133 = arith.select %eq3A_130, %scan3A_118#4, %broadcast_in_dim3A_132 : vector<16xi1>, vector<16xi32>
    %min3A_134 = arith.minsi %broadcast_in_dim3A_128, %select_n3A_133 : vector<16xi32>
    %eq3A_135 = vector.broadcast %reduce_max3A_126 : f32 to vector<16xf32>
    %eq3A_136 = arith.cmpf oeq, %scan3A_118#1, %eq3A_135 : vector<16xf32>
    %jit3A_137 = arith.constant 1073741824 : i32
    %broadcast_in_dim3A_138 = vector.broadcast %jit3A_137 : i32 to vector<16xi32>
    %select_n3A_139 = arith.select %eq3A_136, %scan3A_118#5, %broadcast_in_dim3A_138 : vector<16xi1>, vector<16xi32>
    %min3A_140 = arith.minsi %min3A_134, %select_n3A_139 : vector<16xi32>
    %eq3A_141 = vector.broadcast %reduce_max3A_126 : f32 to vector<16xf32>
    %eq3A_142 = arith.cmpf oeq, %scan3A_118#2, %eq3A_141 : vector<16xf32>
    %jit3A_143 = arith.constant 1073741824 : i32
    %broadcast_in_dim3A_144 = vector.broadcast %jit3A_143 : i32 to vector<16xi32>
    %select_n3A_145 = arith.select %eq3A_142, %scan3A_118#6, %broadcast_in_dim3A_144 : vector<16xi1>, vector<16xi32>
    %min3A_146 = arith.minsi %min3A_140, %select_n3A_145 : vector<16xi32>
    %eq3A_147 = vector.broadcast %reduce_max3A_126 : f32 to vector<16xf32>
    %eq3A_148 = arith.cmpf oeq, %scan3A_118#3, %eq3A_147 : vector<16xf32>
    %jit3A_149 = arith.constant 1073741824 : i32
    %broadcast_in_dim3A_150 = vector.broadcast %jit3A_149 : i32 to vector<16xi32>
    %select_n3A_151 = arith.select %eq3A_148, %scan3A_118#7, %broadcast_in_dim3A_150 : vector<16xi1>, vector<16xi32>
    %min3A_152 = arith.minsi %min3A_146, %select_n3A_151 : vector<16xi32>
    %reduce_min3A_153 = arith.constant true
    %reduce_min3A_154 = vector.broadcast %reduce_min3A_153 : i1 to vector<16xi1>
    %reduce_min3A_155 = arith.constant -2147483648 : i32
    %reduce_min3A_156 = vector.broadcast %reduce_min3A_155 : i32 to vector<16xi32>
    %reduce_min3A_157 = arith.xori %min3A_152, %reduce_min3A_156 : vector<16xi32>
    %reduce_min3A_158 = tpu.scan <min>, %reduce_min3A_157 masked %reduce_min3A_154 : vector<16xi32>, vector<16xi1> -> vector<16xi32>
    %reduce_min3A_159 = arith.xori %reduce_min3A_158, %reduce_min3A_156 : vector<16xi32>
    %reduce_min3A_160 = vector.extract %reduce_min3A_159[15] : i32 from vector<16xi32>
    %iota3A_161 = tpu.iota {dimensions = array<i32: 0>} : vector<16xi32>
    %eq3A_162 = arith.constant 7 : i32
    %eq3A_163 = vector.broadcast %eq3A_162 : i32 to vector<16xi32>
    %eq3A_164 = arith.cmpi eq, %iota3A_161, %eq3A_163 : vector<16xi32>
    %broadcast_in_dim3A_165 = vector.broadcast %reduce_min3A_160 : i32 to vector<16xi32>
    %select_n3A_166 = arith.select %eq3A_164, %broadcast_in_dim3A_165, %select_n3A_89 : vector<16xi1>, vector<16xi32>
    %swap3A = arith.constant 16 : index
    %swap3A_167 = tpu.vector_load %arg6[%swap3A] {strides = array<i32>} : memref<32xi32, #tpu.memory_space<vmem>>, vector<16xi32>,
    tpu.vector_store %arg6[%swap3A], %select_n3A_166 {strides = array<i32>} : memref<32xi32, #tpu.memory_space<vmem>>, vector<16xi32>,
    "tpu.region"() ({
      %run_scoped3A = tpu.sem_alloc : memref<!tpu.dma_semaphore, #tpu.memory_space<semaphore_mem>>
      %dma_start3A_168 = arith.constant 0 : i32
      %dma_start3A_169 = tpu.memref_slice %arg6[%dma_start3A_168] : memref<32xi32, #tpu.memory_space<vmem>> -> memref<24xi32, #tpu.memory_space<vmem>>
      %dma_start3A_170 = tpu.memref_slice %arg3[%mul3A_2] : memref<768xi32, #tpu.memory_space<hbm>> -> memref<24xi32, #tpu.memory_space<hbm>>
      %dma_start3A_171 = tpu.memref_slice %arg3[%mul3A_2] : memref<768xi32, #tpu.memory_space<hbm>> -> memref<24xi32, #tpu.memory_space<hbm>>
      %dma_start3A_172 = arith.constant 0 : i32
      %dma_start3A_173 = tpu.memref_slice %arg6[%dma_start3A_172] : memref<32xi32, #tpu.memory_space<vmem>> -> memref<24xi32, #tpu.memory_space<vmem>>
      tpu.enqueue_dma source(%dma_start3A_173 : memref<24xi32, #tpu.memory_space<vmem>>) target(%dma_start3A_171 : memref<24xi32, #tpu.memory_space<hbm>>) target_semaphore(%run_scoped3A : memref<!tpu.dma_semaphore, #tpu.memory_space<semaphore_mem>>)
      %dma_wait3A_174 = arith.constant 0 : i32
      %dma_wait3A_175 = tpu.memref_slice %arg6[%dma_wait3A_174] : memref<32xi32, #tpu.memory_space<vmem>> -> memref<24xi32, #tpu.memory_space<vmem>>
      %dma_wait3A_176 = tpu.memref_slice %arg3[%mul3A_2] : memref<768xi32, #tpu.memory_space<hbm>> -> memref<24xi32, #tpu.memory_space<hbm>>
      %dma_wait3A_177 = tpu.memref_slice %arg3[%mul3A_2] : memref<768xi32, #tpu.memory_space<hbm>> -> memref<24xi32, #tpu.memory_space<hbm>>
      %dma_wait3A_178 = arith.constant 0 : i32
      %dma_wait3A_179 = tpu.memref_slice %arg6[%dma_wait3A_178] : memref<32xi32, #tpu.memory_space<vmem>> -> memref<24xi32, #tpu.memory_space<vmem>>
      tpu.wait_dma2 semaphore(%run_scoped3A : memref<!tpu.dma_semaphore, #tpu.memory_space<semaphore_mem>>) src(%dma_wait3A_179 : memref<24xi32, #tpu.memory_space<vmem>>) dst(%dma_wait3A_177 : memref<24xi32, #tpu.memory_space<hbm>>)
      tpu.yield
    }) : () -> ()
    return
  }
}

module attributes {stable_mosaic.version = 14 : i64} {
  func.func @_tc_body(%arg0: i32, %arg1: memref<2x32x32768xf32, #tpu.memory_space<vmem>>, %arg2: memref<2x1x32xi32, #tpu.memory_space<vmem>>) attributes {dimension_semantics = [#tpu.dimension_semantics<arbitrary>], iteration_bounds = array<i64: 20>, scalar_prefetch = 0 : i64, scratch_operands = 0 : i64, tpu.core_type = #tpu.core_type<tc>, window_params = [{transform_indices = @transform_0, window_bounds = array<i64: 2, 32, 32768>}, {transform_indices = @transform_1, window_bounds = array<i64: 2, 1, 32>}]} {
    %get3A = arith.constant 0 : index
    %get3A_0 = arith.constant 0 : index
    %get3A_1 = arith.constant 0 : index
    %get3A_2 = vector.load %arg1[%get3A, %get3A_0, %get3A_1] : memref<2x32x32768xf32, #tpu.memory_space<vmem>>, vector<2x32x32768xf32>
    %reshape3A = vector.shape_cast %get3A_2 : vector<2x32x32768xf32> to vector<64x32768xf32>
    %reduce_max3A = arith.constant dense<0xFF800000> : vector<64xf32>
    %reduce_max3A_3 = vector.multi_reduction <maximumf>, %reshape3A, %reduce_max3A [1] : vector<64x32768xf32> to vector<64xf32>
    %broadcast_in_dim3A = vector.shape_cast %reduce_max3A_3 : vector<64xf32> to vector<64x1xf32>
    %iota3A = tpu.iota {dimensions = array<i32: 1>} : vector<64x32768xi32>
    %eq3A = vector.broadcast %broadcast_in_dim3A : vector<64x1xf32> to vector<64x32768xf32>
    %eq3A_4 = arith.cmpf oeq, %reshape3A, %eq3A : vector<64x32768xf32>
    %jit3A = arith.constant 2147483647 : i32
    %broadcast_in_dim3A_5 = vector.broadcast %jit3A : i32 to vector<64x32768xi32>
    %select_n3A = arith.select %eq3A_4, %iota3A, %broadcast_in_dim3A_5 : vector<64x32768xi1>, vector<64x32768xi32>
    %reduce_min3A = arith.constant dense<2147483647> : vector<64xi32>
    %reduce_min3A_6 = vector.multi_reduction <minsi>, %select_n3A, %reduce_min3A [1] : vector<64x32768xi32> to vector<64xi32>
    %reshape3A_7 = vector.shape_cast %reduce_min3A_6 : vector<64xi32> to vector<2x1x32xi32>
    %swap3A = arith.constant 0 : index
    %swap3A_8 = arith.constant 0 : index
    %swap3A_9 = arith.constant 0 : index
    %swap3A_10 = vector.load %arg2[%swap3A, %swap3A_8, %swap3A_9] : memref<2x1x32xi32, #tpu.memory_space<vmem>>, vector<2x1x32xi32>
    tpu.vector_store %arg2[%swap3A, %swap3A_8, %swap3A_9], %reshape3A_7 {strides = array<i32>} : memref<2x1x32xi32, #tpu.memory_space<vmem>>, vector<2x1x32xi32>,
    return
  }
  func.func @transform_0(%arg0: i32) -> (i32, i32, i32) {
    %add3A = arith.constant 12 : i32
    %add3A_0 = arith.addi %arg0, %add3A : i32
    %c0_i32 = arith.constant 0 : i32
    %c0_i32_1 = arith.constant 0 : i32
    %c0_i32_2 = arith.constant 0 : i32
    return %add3A_0, %c0_i32, %c0_i32_1 : i32, i32, i32
  }
  func.func @transform_1(%arg0: i32) -> (i32, i32, i32) {
    %c0_i32 = arith.constant 0 : i32
    %c0_i32_0 = arith.constant 0 : i32
    %c0_i32_1 = arith.constant 0 : i32
    return %arg0, %c0_i32, %c0_i32_0 : i32, i32, i32
  }
}

</mosaic_0001>

<sc_bundles>
// kernel: kernel.4.cloned.1.call-start
scs
__scs_entry_jumppad:
0x0: {  	(pc) =	sbr.rel $0x88, $3  }
0x1: {  	(tag) =	ssettag $0x0;
	lr =	simm.s32 $0x1  }
0x2: {  	[smem:$0x3FA0] =	sst lr;
	_ =	strace $0xD0000000  }
0x3: {  	_ = 	snop  }
0x4: {  	_ = 	snop  }
0x5: {  	_ = 	snop  }
0x6: {  	_ = 	snop  }
0x7: {  	_ = 	snop  }
__scs_overlays_trampoline_lowered:
0x8: {  	[smem:$0x3FAF] =	sst s0  }
0x9: {  	[smem:$0x3FB0] =	sst s1  }
0xa: {  	[smem:$0x3FB1] =	sst s2  }
0xb: {  	[smem:$0x3FB2] =	sst s3  }
0xc: {  	[smem:$0x3FB3] =	sst s4  }
0xd: {  	[smem:$0x3FB4] =	sst s5  }
0xe: {  	[smem:$0x3FB5] =	sst s6  }
0xf: {  	[smem:$0x3FB6] =	sst s7  }
0x10: {  	[smem:$0x3FB7] =	sst s8  }
0x11: {  	[smem:$0x3FB8] =	sst s9;
	s0 =	simm.s32 @!p0 $0x0  }
0x12: {  	s1 =	sld [smem:$0x3F9E];
	s0 =	simm.s32 @p0 $0x1  }
0x13: {  	[smem:$0x3FB9] =	sst s0;
	s0 =	simm.s32 @!p1 $0x0  }
0x14: {  	s2 =	sld [smem:$0x3F9D];
	s0 =	simm.s32 @p1 $0x1  }
0x15: {  	[smem:$0x3FBA] =	sst s0;
	s0 =	simm.s32 @!p2 $0x0  }
0x16: {  	s3 =	sld [smem:$0x3FDB];
	s0 =	simm.s32 @p2 $0x1  }
0x17: {  	s4 =	simm.s32 $0x1BF5;
	[smem:$0x3FBC] =	sst s0  }
0x18: {  	s0 =	sld [smem:$0x3F9F];
	_ =	swait.ge [sflag:s4], $0x0  }
0x19: {  	s7 =	sld [smem:$0x3FA0]  }
0x1a: {  	s8 =	sadd.s32 $0xFFFFE003, lr  }
0x1b: {  	s9 =	sadd.s32 $0xFFFFFEF7, lr;
	s5 =	simm.s32 $0xFFFFFFFF;
	p2 =	slt.u32 s8, $0xFFFFF086  }
0x1c: {  	p1 =	slt.u32 s9, $0xF7A;
	s5 =	simm.s32 @!p2 $0x0  }
0x1d: {  	s5 =	simm.s32 @p1 $0x1;
	p0 =	seq.s32 s7, s2  }
0x1e: {  	s7 =	smul.u32 @!p0 $0xF7A, s2;
	p2 =	seq.s32 @!p0 s5, $0x0  }
0x1f: {  	s9 =	smul.u32 $0xF7A, s1;
	s8 =	simm.s32 @!p0 $0x1BF5;
	p2 =	por !p2, p0  }
0x20: {  	[sflag:s8] =	ssyncset.s32 @!p0 $0xFFFFF086;
	s6 =	sadd.s32 @!p0 s3, s7;
	s7 =	simm.s32 @!p0 $0x108  }
0x21: {  	s3 =	sadd.s32 s3, s9;
	s6 =	sadd.s32 @!p0 $0x88, s6;
	s7 =	simm.s32 @p2 $0x1082  }
0x22: {  	[simem:s7], [sflag:s8] =	dma.local @!p0 [hbm:s6], $0xF7A  }
0x23: {  	s9 =	sor.u32 $0xD0000000, s2;
	s6 =	simm.s32 $0x108;
	_ =	swait.ge @!p0 [sflag:s8], $0x0  }
0x24: {  	s3 =	sadd.s32 $0x88, s3;
	s6 =	simm.s32 @!p1 $0x1082;
	[sflag:s4] =	ssyncset.s32 $0xFFFFF086  }
0x25: {  	[simem:s6], [sflag:s4] =	dma.local [hbm:s3], $0xF7A  }
0x26: {  	[smem:$0x3FA0] =	sst s1;
	(tag) =	ssettag s2;
	_ =	strace s9  }
0x27: {  	s1 =	sld [smem:$0x3FB0]  }
0x28: {  	s2 =	sld [smem:$0x3FB1]  }
0x29: {  	s4 =	sld [smem:$0x3FB3]  }
0x2a: {  	p0 =	seq.s32 s5, $0x0;
	s5 =	sld [smem:$0x3FB4]  }
0x2b: {  	s6 =	sld [smem:$0x3FB5]  }
0x2c: {  	s7 =	sld [smem:$0x3FB6]  }
0x2d: {  	s3 =	simm.s32 $0x108;
	s8 =	sld [smem:$0x3FB7]  }
0x2e: {  	s3 =	simm.s32 @!p0 $0x1082;
	s9 =	sld [smem:$0x3FB8]  }
0x2f: {  	lr =	sadd.s32 s0, s3;
	s0 =	sld [smem:$0x3FAF]  }
0x30: {  	s3 =	sld [smem:$0x3FB2]  }
0x31: {  	[smem:$0x3FBB] =	sst s10  }
0x32: {  	s10 =	sld [smem:$0x3FB9];
	_ =	sdelay $0x3  }
0x33: {  	p0 =	seq.s32 s10, $0x1;
	s10 =	sld [smem:$0x3FBB];
	_ =	sdelay $0x3  }
0x34: {  	[smem:$0x3FBB] =	sst s10  }
0x35: {  	s10 =	sld [smem:$0x3FBA];
	_ =	sdelay $0x3  }
0x36: {  	p1 =	seq.s32 s10, $0x1;
	s10 =	sld [smem:$0x3FBB];
	_ =	sdelay $0x3  }
0x37: {  	[smem:$0x3FBB] =	sst s10  }
0x38: {  	s10 =	sld [smem:$0x3FBC]  }
0x39: {  	_ = 	snop;
	(pc) =	sbr.ind lr, $3  }
0x3a: {  	_ = 	snop  }
0x3b: {  	_ = 	snop  }
0x3c: {  	p2 =	seq.s32 s10, $0x1;
	s10 =	sld [smem:$0x3FBB]  }
0x3d: {  	_ =	shalt  }
0x3e: {  	_ =	shalt  }
0x3f: {  	_ =	shalt  }
0x40: {  	_ =	shalt  }
0x41: {  	_ =	shalt  }
0x42: {  	_ =	shalt  }
0x43: {  	_ =	shalt  }
0x44: {  	_ =	shalt  }
0x45: {  	_ =	shalt  }
0x46: {  	_ =	shalt  }
0x47: {  	_ =	shalt  }
0x48: {  	_ =	shalt  }
0x49: {  	_ =	shalt  }
0x4a: {  	_ =	shalt  }
0x4b: {  	_ =	shalt  }
0x4c: {  	_ =	shalt  }
0x4d: {  	_ =	shalt  }
0x4e: {  	_ =	shalt  }
0x4f: {  	_ =	shalt  }
0x50: {  	_ =	shalt  }
0x51: {  	_ =	shalt  }
0x52: {  	_ =	shalt  }
0x53: {  	_ =	shalt  }
0x54: {  	_ =	shalt  }
0x55: {  	_ =	shalt  }
0x56: {  	_ =	shalt  }
0x57: {  	_ =	shalt  }
0x58: {  	_ =	shalt  }
0x59: {  	_ =	shalt  }
0x5a: {  	_ =	shalt  }
0x5b: {  	_ =	shalt  }
0x5c: {  	_ =	shalt  }
0x5d: {  	_ =	shalt  }
0x5e: {  	_ =	shalt  }
0x5f: {  	_ =	shalt  }
0x60: {  	_ =	shalt  }
0x61: {  	_ =	shalt  }
0x62: {  	_ =	shalt  }
0x63: {  	_ =	shalt  }
0x64: {  	_ =	shalt  }
0x65: {  	_ =	shalt  }
0x66: {  	_ =	shalt  }
0x67: {  	_ =	shalt  }
0x68: {  	_ =	shalt  }
0x69: {  	_ =	shalt  }
0x6a: {  	_ =	shalt  }
0x6b: {  	_ =	shalt  }
0x6c: {  	_ =	shalt  }
0x6d: {  	_ =	shalt  }
0x6e: {  	_ =	shalt  }
0x6f: {  	_ =	shalt  }
0x70: {  	_ =	shalt  }
0x71: {  	_ =	shalt  }
0x72: {  	_ =	shalt  }
0x73: {  	_ =	shalt  }
0x74: {  	_ =	shalt  }
0x75: {  	_ =	shalt  }
0x76: {  	_ =	shalt  }
0x77: {  	_ =	shalt  }
0x78: {  	_ =	shalt  }
0x79: {  	_ =	shalt  }
0x7a: {  	_ =	shalt  }
0x7b: {  	_ =	shalt  }
0x7c: {  	_ =	shalt  }
0x7d: {  	_ =	shalt  }
0x7e: {  	_ =	shalt  }
0x7f: {  	_ =	shalt  }
0x80: {  	_ =	shalt  }
0x81: {  	_ =	shalt  }
0x82: {  	_ =	shalt  }
0x83: {  	_ =	shalt  }
0x84: {  	_ =	shalt  }
0x85: {  	_ =	shalt  }
0x86: {  	_ =	shalt  }
0x87: {  	_ =	shalt  }
.Lfunc_end0:
.L_simem_size_0:
called_computation_lowered:
.L_overlay_start_0:
0x88: {  	s2 =	sld [smem:$0x3FD9]  }
0x89: {  	s3 =	sld [smem:$0x3FFE];
	_ =	sdelay $0x1  }
0x8a: {  	s1 =	srdreg.scid  }
0x8b: {  	s0 =	sand.u32 $0x1, s1  }
0x8c: {  	s18 =	sshll.u32 s0, $0xA;
	s2 =	sadd.s32 s3, s2  }
0x8d: {  	s2 =	sadd.s32 s2, s18  }
0x8e: {  	[smem:$0x3FC7] =	sst s2  }
0x8f: {  	_ = 	snop  }
0x90: {  	s2 =	sld [smem:$0x3FC9]  }
0x91: {  	s19 =	sld [smem:$0x3FD0];
	(tm) =	ssettm $0x1  }
0x92: {  	s4 =	sld [smem:$0x3FFB];
	_ =	sdelay $0x3  }
0x93: {  	_ =	strace s4  }
0x94: {  	s4 =	sld [smem:$0x3FFC];
	_ =	sdelay $0x3  }
0x95: {  	_ =	strace s4  }
0x96: {  	s4 =	sld [smem:$0x3FFD];
	_ =	sdelay $0x3  }
0x97: {  	_ =	strace s4  }
0x98: {  	_ =	strace $0x8FFFFFFF  }
0x99: {  	s20 =	sld [smem:$0x3FDB];
	_ =	sdelay $0x1  }
0x9a: {  	s5 =	simm.s32 $_scs_section_size  }
0x9b: {  	s6 =	simm.s32 $_size__tile_overlayer_lowered;
	s7 =	simm.s32 $_tile_overlayer_lowered  }
0x9c: {  	s23 =	simm.s32 $0x1BFF;
	s22 =	sshll.u32 s7, $0x1;
	s4 =	sadd.s32 s5, s20  }
0x9d: {  	s8 =	simm.s32 $0x0;
	s21 =	sshll.u32 s6, $0x1;
	s6 =	sadd.s32 s22, s4  }
0x9e: {  	[timem:s8], [sflag:s23] =	dma.local [hbm:s6], s21  }
0x9f: {  	_ =	swait.ge [sflag:s23], s21  }
0xa0: {  	s5 =	ssub.s32 $0x0, s21;
	[sflag:s23] =	ssyncset.done $0x0  }
0xa1: {  	[sflag:s23] =	ssyncadd.s32 s5;
	_ =	sdelay $0x1  }
0xa2: {  	s24 =	simm.s32 $0x1B8B  }
0xa3: {  	_ =	swait.ge [sflag:s24], $0x1  }
0xa4: {  	[sflag:s24] =	ssyncset.done $0x0  }
0xa5: {  	s25 =	simm.s32 $0x1B8E;
	[sflag:s24] =	ssyncadd.s32 $0xFFFFFFFF  }
0xa6: {  	s26 =	simm.s32 $execute0_lowered;
	[smem:$0x3FD2] =	sst s25  }
0xa7: {  	s5 =	sshll.u32 s26, $0x1;
	_ =	strace $0x80000046;
	[dreg:$0x1] =	wrdreg $0xFFFFFFFF  }
0xa8: {  	s28 =	simm.s32 $_size_execute0_lowered;
	s4 =	sadd.s32 s4, s5;
	[dreg:$0x0] =	wrdreg $0x0  }
0xa9: {  	s5 =	sshll.u32 s28, $0x1;
	[dreg:$0x2] =	wrdreg s4  }
0xaa: {  	[dreg:$0x3] =	wrdreg s5  }
0xab: {  	[dreg:$0x4] =	wrdreg $0xC0  }
0xac: {  	_ =	task [dreg:s8], $0x5FFFF  }
0xad: {  	[dreg:$0x1] =	wrdreg $0xFFFFFFFF  }
0xae: {  	[dreg:$0x0] =	wrdreg $0x60  }
0xaf: {  	[dreg:$0x2] =	wrdreg s2  }
0xb0: {  	[dreg:$0x3] =	wrdreg s19  }
0xb1: {  	[dreg:$0x4] =	wrdreg $0x9  }
0xb2: {  	_ =	task.clear_ibuf [dreg:s8], $0x5FFFF;
	_ =	strace $0x90000046  }
0xb3: {  	s29 =	simm.s32 $0x9;
	_ =	strace $0x80000048  }
0xb4: {  	_ =	swait.ge [sflag:s29], $0x1  }
0xb5: {  	[sflag:s29] =	ssyncadd.s32 $0xFFFFFFFF  }
0xb6: {  	_ =	strace $0x90000048  }
0xb7: {  	_ =	sfence  }
0xb8: {  	s30 =	sld [smem:$0x0];
	_ =	sdelay $0x2  }
0xb9: {  	s31 =	sshll.u32 s1, $0xD;
	s1 =	sshrl.u32 s1, $0x2  }
0xba: {  	s3 =	sand.u32 $0x4000, s31;
	s1 =	sadd.s32 s1, s30  }
0xbb: {  	s0 =	sor.u32 s3, s0;
	s1 =	sshll.u32 s1, $0x11  }
0xbc: {  	s0 =	sor.u32 s1, s0  }
0xbd: {  	s0 =	sadd.s32 $0x8F2B, s0  }
0xbe: {  	[sflag:s0] =	ssyncadd.remote.s32 $0x1  }
0xbf: {  	_ =	sfence.sel $0xFFFF  }
0xc0: {  	[dreg:$0x0] =	wrdreg $0xFFFFFFFF;
	(pc) =	sbr.abs _section_cstart, $3  }
0xc1: {  	[dreg:$0x1] =	wrdreg $0xFFFFFFFF  }
0xc2: {  	_ =	task.clear_ibuf [dreg:s8], $0x2FFFF;
	_ =	strace $0x9FFFFFFF  }
0xc3: {  	(tm) =	ssettm $0x7FFFFFFF  }
tec
execute0_lowered:
.L_overlay_start_1:
0x0: {  	(tag) =	ssettag $0x1  }
0x1: {  	s1 =	srdreg.scid;
	s2 =	rddreg [dreg:$0x0]  }
0x2: {  	s0 =	stileid.u32;
	s7 =	rddreg [dreg:$0x1];
	s3 =	simm.s32 $0x0  }
0x3: {  	s11 =	simm.s32 $0x8000;
	s12 =	simm.s32 $0x1;
	s13 =	simm.s32 $0x2  }
0x4: {  	s14 =	simm.s32 $0x10000;
	s5 =	sand.u32 $0x1, s1;
	s31 =	sshll.u32 s0, $0x1  }
0x5: {  	s15 =	simm.s32 $0x3;
	s16 =	simm.s32 $0x0;
	s6 =	sor.u32 s5, s31  }
0x6: {  	s1 =	rddreg [dreg:$0x2];
	s8 =	ssub.s32 $0x2, s5;
	s4 =	smul.u32 $0x18, s6  }
0x7: {  	[smem:$0x7FF] =	sst s3;
	s6 =	smul.u32 $0x18000, s6;
	s9 =	sshrl.u32 s8, $0x1  }
0x8: {  	_ =	strace $0x80000047;
	s8 =	ssub.s32 s8, s9;
	s9 =	simm.s32 $0x80  }
0x9: {  	s5 =	sadd.s32 s2, s6;
	s10 =	sshrl.u32 s4, $0x3;
	s8 =	smax.u32 s8, $0x1  }
0xa: {  	v0 =	vlaneseq.u32;
	s6 =	sadd.s32 $0x10, s5;
	s7 =	sadd.s32 s7, s10;
	s10 =	simm.s32 $0x400  }
.LBB2_1:
0xb: {  	[tilespmem:s3], [sflag:$0x1] =	stream.strided.gather [hbm4b:s5+s9], $0x8000, s10, s9, $0x38;
	[tilespmem:$0x10080] =	vst v63  }
0xc: {  	s17 =	simm.s32 $0x0  }
0xd: {  	v2 =	vimm.s32 $0x0;
	v1 =	vimm.s32 $0x0;
	[tilespmem:s11], [sflag:$0x2] =	stream.strided.gather [hbm4b:s6+s9], $0x8000, s10, s9, $0x38;
	[tilespmem:$0x10080] =	vst v63  }
.LBB2_2:
0xe: {  	_ =	swait.ge [sflag:s12], $0x8000  }
0xf: {  	[sflag:s12] =	ssyncset.done $0x0  }
0x10: {  	s18 =	simm.s32 $0x80;
	[sflag:s12] =	ssyncadd.s32 $0xFFFF8000  }
0x11: {  	v3 =	vld [tilespmem:s18+$0x40]  }
0x12: {  	v4 =	vld [tilespmem:s18+$0xFFFFFF80]  }
0x13: {  	v6 =	vld [tilespmem:s18+$0xFFFFFFC0]  }
0x14: {  	v12 =	vlaneseq.u32;
	v18 =	vimm.f32 $-Inf;
	v7 =	vld [tilespmem:s18+$0x0]  }
0x15: {  	v9 =	vor.u32 $0x10, v12;
	v10 =	vor.u32 $0x20, v12;
	v8 =	vor.u32 $0x30, v12;
	v26 =	vld [tilespmem:s18+$0xFFFFFFA0]  }
0x16: {  	v24 =	vadd.s32 $0xC0, v12;
	v16 =	vadd.s32 $0x40, v12;
	v19 =	vadd.s32 $0x80, v12;
	v25 =	vld [tilespmem:s18+$0xFFFFFF90]  }
0x17: {  	v11 =	vadd.s32 $0xC0, v9;
	v14 =	vadd.s32 $0xC0, v10;
	v28 =	vld [tilespmem:s18+$0xFFFFFFE0];
	vm0 =	vgt.f32 v4, v18  }
0x18: {  	v15 =	vadd.s32 $0xC0, v8;
	v17 =	vadd.s32 $0x80, v8;
	v21 =	vld [tilespmem:s18+$0x10];
	v4 =	vsel vm0, v4, v18  }
0x19: {  	v20 =	vadd.s32 $0x40, v10;
	v27 =	vld [tilespmem:s18+$0xFFFFFFB0];
	v13 =	vsel vm0, v12, v2;
	vm0 =	vgt.f32 v6, v4  }
0x1a: {  	v23 =	vadd.s32 $0x40, v8;
	v22 =	vld [tilespmem:s18+$0xFFFFFFD0];
	vm2 =	vgt.f32 v26, v18;
	v4 =	vsel vm0, v6, v4  }
0x1b: {  	v29 =	vld [tilespmem:s18+$0xFFFFFFF0];
	v62 =	vsel vm2, v26, v18;
	v6 =	vsel vm0, v16, v13;
	vm0 =	vgt.f32 v7, v4  }
0x1c: {  	v30 =	vld [tilespmem:s18+$0x30];
	vm1 =	vgt.f32 v25, v18;
	vm5 =	vgt.f32 v28, v62;
	v4 =	vsel vm0, v7, v4  }
0x1d: {  	v13 =	vadd.s32 $0x80, v9;
	v6 =	vsel vm0, v19, v6;
	v7 =	vld [tilespmem:s18+$0x20];
	vm0 =	vgt.f32 v3, v4  }
0x1e: {  	v5 =	vld [tilespmem:s18+$0x50];
	v3 =	vsel vm0, v3, v4;
	v4 =	vsel vm0, v24, v6;
	vm0 =	vgt.f32 v27, v18  }
0x1f: {  	v61 =	vld [tilespmem:s18+$0x60];
	v16 =	vadd.s32 $0x80, v10;
	v6 =	vsel vm1, v25, v18;
	v18 =	vsel vm0, v27, v18  }
0x20: {  	v63 =	vld [tilespmem:s18+$0x70];
	v19 =	vadd.s32 $0x40, v9;
	vm4 =	vgt.f32 v22, v6;
	vm3 =	vgt.f32 v29, v18  }
0x21: {  	v6 =	vsel vm4, v22, v6;
	v22 =	vsel vm5, v28, v62;
	v18 =	vsel vm3, v29, v18  }
0x22: {  	vm7 =	vgt.f32 v21, v6;
	vm8 =	vgt.f32 v7, v22;
	vm6 =	vgt.f32 v30, v18  }
0x23: {  	v6 =	vsel vm7, v21, v6;
	v7 =	vsel vm8, v7, v22;
	v21 =	vimm.s32 $0x0  }
0x24: {  	v22 =	vimm.s32 $0x0;
	v18 =	vsel vm6, v30, v18;
	vm11 =	vgt.f32 v5, v6  }
0x25: {  	vm9 =	vgt.f32 v61, v7;
	vm10 =	vgt.f32 v63, v18;
	v6 =	vsel vm11, v5, v6  }
0x26: {  	s19 =	simm.s32 $0x180;
	s18 =	simm.s32 $0x0;
	v7 =	vsel vm9, v61, v7;
	v5 =	vsel vm10, v63, v18;
	v18 =	vimm.s32 $0x0  }
.LBB2_3:
0x27: {  	v24 =	vld [tilespmem:s19+$0x40];
	v21 =	vsel vm1, v9, v21;
	v22 =	vsel vm2, v10, v22;
	v18 =	vsel vm0, v8, v18  }
0x28: {  	v25 =	vld [tilespmem:s19+$0xFFFFFF80];
	v19 =	vsel vm4, v19, v21;
	v20 =	vsel vm5, v20, v22;
	v18 =	vsel vm3, v23, v18  }
0x29: {  	v26 =	vld [tilespmem:s19+$0x50];
	v13 =	vsel vm7, v13, v19;
	v16 =	vsel vm8, v16, v20;
	v17 =	vsel vm6, v17, v18  }
0x2a: {  	v19 =	vld [tilespmem:s19+$0xFFFFFFC0];
	v21 =	vsel vm11, v11, v13;
	v22 =	vsel vm9, v14, v16;
	v18 =	vsel vm10, v15, v17  }
0x2b: {  	v12 =	vadd.s32 $0x100, v12;
	v20 =	vld [tilespmem:s19+$0x0]  }
0x2c: {  	v9 =	vadd.s32 $0x100, v9;
	v10 =	vadd.s32 $0x100, v10;
	v8 =	vadd.s32 $0x100, v8;
	v27 =	vld [tilespmem:s19+$0x10]  }
0x2d: {  	v29 =	vadd.s32 $0xC0, v12;
	v11 =	vadd.s32 $0xC0, v9;
	vm0 =	vgt.f32 v25, v3;
	v28 =	vld [tilespmem:s19+$0xFFFFFFD0]  }
0x2e: {  	v14 =	vadd.s32 $0xC0, v10;
	v3 =	vsel vm0, v25, v3;
	v4 =	vsel vm0, v12, v4;
	v25 =	vld [tilespmem:s19+$0xFFFFFF90]  }
0x2f: {  	v13 =	vadd.s32 $0x40, v12;
	v15 =	vadd.s32 $0xC0, v8;
	v30 =	vld [tilespmem:s19+$0xFFFFFFA0];
	vm0 =	vgt.f32 v19, v3  }
0x30: {  	s18 =	sadd.s32 $0x4, s18;
	v31 =	vld [tilespmem:s19+$0xFFFFFFB0];
	v3 =	vsel vm0, v19, v3;
	v4 =	vsel vm0, v13, v4;
	v19 =	vadd.s32 $0x80, v12  }
0x31: {  	p0 =	slt.u32 s18, $0x1FC;
	v16 =	vadd.s32 $0x80, v10;
	v13 =	vadd.s32 $0x80, v9;
	v32 =	vld [tilespmem:s19+$0xFFFFFFE0];
	vm0 =	vgt.f32 v20, v3  }
0x32: {  	v17 =	vadd.s32 $0x80, v8;
	v33 =	vld [tilespmem:s19+$0xFFFFFFF0];
	v3 =	vsel vm0, v20, v3;
	v4 =	vsel vm0, v19, v4  }
0x33: {  	v19 =	vadd.s32 $0x40, v9;
	v20 =	vadd.s32 $0x40, v10;
	v34 =	vld [tilespmem:s19+$0x20];
	vm0 =	vgt.f32 v24, v3  }
0x34: {  	v23 =	vadd.s32 $0x40, v8;
	v35 =	vld [tilespmem:s19+$0x30];
	v3 =	vsel vm0, v24, v3;
	v4 =	vsel vm0, v29, v4  }
0x35: {  	vm1 =	vgt.f32 v25, v6;
	vm2 =	vgt.f32 v30, v7;
	vm0 =	vgt.f32 v31, v5;
	v24 =	vld [tilespmem:s19+$0x60]  }
0x36: {  	v6 =	vsel vm1, v25, v6;
	v7 =	vsel vm2, v30, v7;
	v5 =	vsel vm0, v31, v5;
	v25 =	vld [tilespmem:s19+$0x70]  }
0x37: {  	vm4 =	vgt.f32 v28, v6;
	vm5 =	vgt.f32 v32, v7;
	vm3 =	vgt.f32 v33, v5  }
.Ltmp0:
0x38: {  	v6 =	vsel vm4, v28, v6;
	v7 =	vsel vm5, v32, v7;
	v5 =	vsel vm3, v33, v5;
	(pc) =	sbr.rel @p0 .LBB2_3-.Ltmp0, $4  }
0x39: {  	vm7 =	vgt.f32 v27, v6;
	vm8 =	vgt.f32 v34, v7;
	vm6 =	vgt.f32 v35, v5  }
0x3a: {  	v6 =	vsel vm7, v27, v6;
	v7 =	vsel vm8, v34, v7;
	v5 =	vsel vm6, v35, v5  }
0x3b: {  	vm11 =	vgt.f32 v26, v6;
	vm9 =	vgt.f32 v24, v7;
	vm10 =	vgt.f32 v25, v5  }
0x3c: {  	s19 =	sadd.s32 $0x100, s19;
	v6 =	vsel vm11, v26, v6;
	v7 =	vsel vm9, v24, v7;
	v5 =	vsel vm10, v25, v5  }
0x3d: {  	s18 =	sshll.u32 s17, $0x1  }
0x3e: {  	s19 =	sadd.s32 s4, s18  }
0x3f: {  	s20 =	sadd.s32 $0x2, s19  }
0x40: {  	s21 =	sshll.u32 s20, $0x4  }
0x41: {  	s20 =	sshll.u32 s20, $0xC;
	s21 =	sand.u32 $0x60, s21  }
0x42: {  	s20 =	sand.u32 $0xFFF8000, s20;
	s21 =	sadd.s32 s2, s21  }
0x43: {  	s20 =	sadd.s32 s20, s21  }
0x44: {  	[tilespmem:s3], [sflag:$0x1] =	stream.strided.gather [hbm4b:s20+s9], $0x8000, s10, s9, $0x38;
	[tilespmem:$0x10080] =	vst v63  }
0x45: {  	_ =	swait.ge [sflag:s13], $0x8000  }
0x46: {  	[sflag:s13] =	ssyncset.done $0x0  }
0x47: {  	v9 =	vsel vm1, v9, v21;
	v10 =	vsel vm2, v10, v22;
	s31 =	simm.s32 $0x8080;
	[sflag:s13] =	ssyncadd.s32 $0xFFFF8000  }
0x48: {  	v8 =	vsel vm0, v8, v18;
	v18 =	vlaneseq.u32;
	v9 =	vsel vm4, v19, v9;
	v19 =	vld [tilespmem:s31+$0xFFFFFF80]  }
0x49: {  	v25 =	vimm.f32 $-Inf;
	v10 =	vsel vm5, v20, v10;
	v8 =	vsel vm3, v23, v8;
	v20 =	vld [tilespmem:s31+$0xFFFFFFC0]  }
0x4a: {  	v28 =	vadd.s32 $0xC0, v18;
	v27 =	vadd.s32 $0x40, v18;
	v31 =	vadd.s32 $0x80, v18;
	v23 =	vld [tilespmem:s31+$0x0]  }
0x4b: {  	v9 =	vsel vm7, v13, v9;
	v10 =	vsel vm8, v16, v10;
	v8 =	vsel vm6, v17, v8;
	v32 =	vld [tilespmem:s31+$0xFFFFFF90]  }
0x4c: {  	v17 =	vimm.s32 $0x0;
	v13 =	vsel vm11, v11, v9;
	v12 =	vsel vm9, v14, v10;
	v34 =	vld [tilespmem:s31+$0xFFFFFFB0]  }
0x4d: {  	v11 =	vsel vm10, v15, v8;
	v8 =	vor.u32 $0x10, v18;
	v9 =	vor.u32 $0x20, v18;
	v29 =	vld [tilespmem:s31+$0xFFFFFFD0]  }
0x4e: {  	v10 =	vor.u32 $0x30, v18;
	v14 =	vadd.s32 $0xC0, v8;
	v22 =	vld [tilespmem:s31+$0x40];
	vm0 =	vgt.f32 v19, v25  }
0x4f: {  	v15 =	vadd.s32 $0xC0, v9;
	v16 =	vadd.s32 $0xC0, v10;
	v24 =	vld [tilespmem:s31+$0x50];
	v19 =	vsel vm0, v19, v25  }
0x50: {  	v33 =	vld [tilespmem:s31+$0xFFFFFFA0];
	vm2 =	vgt.f32 v32, v25;
	v21 =	vsel vm0, v18, v17;
	vm0 =	vgt.f32 v20, v19  }
0x51: {  	v26 =	vld [tilespmem:s31+$0x10];
	vm1 =	vgt.f32 v34, v25;
	v32 =	vsel vm2, v32, v25;
	v30 =	vsel vm0, v20, v19  }
0x52: {  	v35 =	vld [tilespmem:s31+$0xFFFFFFE0];
	vm5 =	vgt.f32 v29, v32;
	v27 =	vsel vm0, v27, v21;
	vm0 =	vgt.f32 v23, v30  }
0x53: {  	v36 =	vld [tilespmem:s31+$0xFFFFFFF0];
	v20 =	vadd.s32 $0x80, v8;
	v21 =	vadd.s32 $0x80, v9;
	v23 =	vsel vm0, v23, v30  }
0x54: {  	v38 =	vld [tilespmem:s31+$0x20];
	v29 =	vsel vm5, v29, v32;
	v37 =	vsel vm0, v31, v27;
	vm0 =	vgt.f32 v22, v23  }
0x55: {  	v39 =	vld [tilespmem:s31+$0x30];
	v22 =	vsel vm0, v22, v23;
	v23 =	vsel vm0, v28, v37;
	vm0 =	vgt.f32 v33, v25  }
0x56: {  	v19 =	vadd.s32 $0x80, v10;
	vm9 =	vgt.f32 v26, v29;
	v28 =	vld [tilespmem:s31+$0x60];
	v33 =	vsel vm0, v33, v25  }
0x57: {  	v61 =	vld [tilespmem:s31+$0x70];
	v30 =	vadd.s32 $0x40, v8;
	v25 =	vsel vm1, v34, v25;
	vm6 =	vgt.f32 v35, v33  }
0x58: {  	v31 =	vadd.s32 $0x40, v9;
	vm3 =	vgt.f32 v36, v25;
	v62 =	vsel vm6, v35, v33  }
0x59: {  	v27 =	vadd.s32 $0x40, v10;
	v25 =	vsel vm3, v36, v25;
	vm8 =	vgt.f32 v38, v62  }
0x5a: {  	v26 =	vsel vm9, v26, v29;
	vm4 =	vgt.f32 v39, v25;
	v29 =	vsel vm8, v38, v62  }
0x5b: {  	vm11 =	vgt.f32 v24, v26;
	v63 =	vsel vm4, v39, v25;
	vm10 =	vgt.f32 v28, v29  }
0x5c: {  	v26 =	vsel vm11, v24, v26;
	vm7 =	vgt.f32 v61, v63;
	v25 =	vsel vm10, v28, v29  }
0x5d: {  	s21 =	simm.s32 $0x8180;
	s20 =	simm.s32 $0x0;
	v24 =	vsel vm7, v61, v63;
	v28 =	vimm.s32 $0x0;
	v29 =	vimm.s32 $0x0  }
.LBB2_5:
0x5e: {  	v32 =	vld [tilespmem:s21+$0x40];
	v17 =	vsel vm2, v8, v17;
	v28 =	vsel vm0, v9, v28;
	v29 =	vsel vm1, v10, v29  }
0x5f: {  	v33 =	vld [tilespmem:s21+$0xFFFFFF80];
	v17 =	vsel vm5, v30, v17;
	v28 =	vsel vm6, v31, v28;
	v27 =	vsel vm3, v27, v29  }
0x60: {  	v34 =	vld [tilespmem:s21+$0x50];
	v17 =	vsel vm9, v20, v17;
	v20 =	vsel vm8, v21, v28;
	v19 =	vsel vm4, v19, v27  }
0x61: {  	v21 =	vld [tilespmem:s21+$0xFFFFFFC0];
	v17 =	vsel vm11, v14, v17;
	v28 =	vsel vm10, v15, v20;
	v29 =	vsel vm7, v16, v19  }
0x62: {  	v18 =	vadd.s32 $0x100, v18;
	v27 =	vld [tilespmem:s21+$0x0]  }
0x63: {  	v8 =	vadd.s32 $0x100, v8;
	v9 =	vadd.s32 $0x100, v9;
	v10 =	vadd.s32 $0x100, v10;
	v35 =	vld [tilespmem:s21+$0x10]  }
0x64: {  	v37 =	vadd.s32 $0xC0, v18;
	v14 =	vadd.s32 $0xC0, v8;
	vm0 =	vgt.f32 v33, v22;
	v36 =	vld [tilespmem:s21+$0xFFFFFFD0]  }
0x65: {  	v15 =	vadd.s32 $0xC0, v9;
	v19 =	vsel vm0, v33, v22;
	v20 =	vsel vm0, v18, v23;
	v33 =	vld [tilespmem:s21+$0xFFFFFF90]  }
0x66: {  	v16 =	vadd.s32 $0xC0, v10;
	v22 =	vadd.s32 $0x40, v18;
	v38 =	vld [tilespmem:s21+$0xFFFFFFA0];
	vm0 =	vgt.f32 v21, v19  }
0x67: {  	s20 =	sadd.s32 $0x4, s20;
	v30 =	vadd.s32 $0x80, v18;
	v39 =	vld [tilespmem:s21+$0xFFFFFFB0];
	v23 =	vsel vm0, v21, v19;
	v22 =	vsel vm0, v22, v20  }
0x68: {  	p0 =	slt.u32 s20, $0x1FC;
	v20 =	vadd.s32 $0x80, v8;
	v21 =	vadd.s32 $0x80, v9;
	v40 =	vld [tilespmem:s21+$0xFFFFFFE0];
	vm0 =	vgt.f32 v27, v23  }
0x69: {  	v19 =	vadd.s32 $0x80, v10;
	v41 =	vld [tilespmem:s21+$0xFFFFFFF0];
	v23 =	vsel vm0, v27, v23;
	v42 =	vsel vm0, v30, v22  }
0x6a: {  	v31 =	vadd.s32 $0x40, v9;
	v30 =	vadd.s32 $0x40, v8;
	v43 =	vld [tilespmem:s21+$0x20];
	vm0 =	vgt.f32 v32, v23  }
0x6b: {  	v27 =	vadd.s32 $0x40, v10;
	v44 =	vld [tilespmem:s21+$0x30];
	v22 =	vsel vm0, v32, v23;
	v23 =	vsel vm0, v37, v42  }
0x6c: {  	vm2 =	vgt.f32 v33, v26;
	vm0 =	vgt.f32 v38, v25;
	vm1 =	vgt.f32 v39, v24;
	v32 =	vld [tilespmem:s21+$0x60]  }
0x6d: {  	v26 =	vsel vm2, v33, v26;
	v25 =	vsel vm0, v38, v25;
	v24 =	vsel vm1, v39, v24;
	v33 =	vld [tilespmem:s21+$0x70]  }
0x6e: {  	vm5 =	vgt.f32 v36, v26;
	vm6 =	vgt.f32 v40, v25;
	vm3 =	vgt.f32 v41, v24  }
.Ltmp1:
0x6f: {  	v26 =	vsel vm5, v36, v26;
	v25 =	vsel vm6, v40, v25;
	v24 =	vsel vm3, v41, v24;
	(pc) =	sbr.rel @p0 .LBB2_5-.Ltmp1, $4  }
0x70: {  	vm9 =	vgt.f32 v35, v26;
	vm8 =	vgt.f32 v43, v25;
	vm4 =	vgt.f32 v44, v24  }
0x71: {  	v26 =	vsel vm9, v35, v26;
	v25 =	vsel vm8, v43, v25;
	v24 =	vsel vm4, v44, v24  }
0x72: {  	vm11 =	vgt.f32 v34, v26;
	vm10 =	vgt.f32 v32, v25;
	vm7 =	vgt.f32 v33, v24  }
0x73: {  	s21 =	sadd.s32 $0x100, s21;
	v26 =	vsel vm11, v34, v26;
	v25 =	vsel vm10, v32, v25;
	v24 =	vsel vm7, v33, v24  }
0x74: {  	v18 =	vmax.f32 v3, v6  }
0x75: {  	v18 =	vmax.f32 v18, v7  }
0x76: {  	v18 =	vmax.f32 v18, v5  }
0x77: {  	(xrf0) =	vmax.scan.msk.f32 $0xffff, v18;
	_ =	sdelay $0x5  }
0x78: {  	v18, _, _ =	vpop (xrf0)  }
0x79: {  	v18 =	vbroadcast v18, $0xF  }
0x7a: {  	vm12 =	vlt.s32 v4, $0x40000000  }
0x7b: {  	vm13 =	veq.f32 v3, v18;
	v3 =	vnsel vm12, $0x40000000, v4  }
0x7c: {  	v3 =	vnsel vm13, $0x40000000, v3  }
0x7d: {  	vm12 =	vlt.s32 v3, v13  }
0x7e: {  	vm13 =	veq.f32 v7, v18;
	v55 =	vsel vm12, v3, v13;
	vm12 =	veq.f32 v6, v18  }
0x7f: {  	v56 =	vnsel vm13, $0x40000000, v12;
	v3 =	vsel vm12, v55, v3  }
0x80: {  	vm13 =	veq.f32 v5, v18;
	vm12 =	vlt.s32 v3, v56  }
0x81: {  	v57 =	vnsel vm13, $0x40000000, v11;
	v3 =	vsel vm12, v3, v56  }
0x82: {  	vm12 =	vlt.s32 v3, v57  }
0x83: {  	v58 =	vmax.f32 v22, v26;
	v3 =	vsel vm12, v3, v57  }
0x84: {  	v4 =	vmax.f32 v58, v25;
	v3 =	vxor.u32 $0x80000000, v3  }
0x85: {  	(xrf0) =	vmin.scan.msk.u32 $0xffff, v3;
	v3 =	vmax.f32 v4, v24  }
0x86: {  	(xrf0) =	vmax.scan.msk.f32 $0xffff, v3;
	_ =	sdelay $0x4  }
0x87: {  	v3, _, _ =	vpop (xrf0)  }
0x88: {  	v59 =	vsel vm2, v8, v17;
	v60, _, _ =	vpop (xrf0)  }
0x89: {  	v61 =	vsel vm0, v9, v28;
	v62 =	vsel vm1, v10, v29;
	v5 =	vbroadcast v60, $0xF  }
0x8a: {  	v6 =	vsel vm6, v31, v61;
	vm6 =	vlt.s32 v23, $0x40000000;
	v4 =	vsel vm5, v30, v59  }
0x8b: {  	v63 =	vnsel vm6, $0x40000000, v23;
	v4 =	vsel vm9, v20, v4;
	vm9 =	veq.f32 v22, v5  }
0x8c: {  	v6 =	vsel vm8, v21, v6;
	v4 =	vsel vm11, v14, v4;
	v8 =	vnsel vm9, $0x40000000, v63  }
0x8d: {  	v7 =	vsel vm3, v27, v62;
	v6 =	vsel vm10, v15, v6;
	vm10 =	vlt.s32 v8, v4  }
0x8e: {  	vm11 =	veq.f32 v26, v5;
	vm12 =	veq.f32 v25, v5;
	v4 =	vsel vm10, v8, v4  }
0x8f: {  	v7 =	vsel vm4, v19, v7;
	v6 =	vnsel vm12, $0x40000000, v6;
	v4 =	vsel vm11, v4, v8  }
0x90: {  	v7 =	vsel vm7, v16, v7;
	vm13 =	veq.f32 v24, v5;
	vm0 =	vlt.s32 v4, v6  }
0x91: {  	v5 =	vnsel vm13, $0x40000000, v7;
	v4 =	vsel vm0, v4, v6  }
0x92: {  	vm0 =	vlt.s32 v4, v5  }
0x93: {  	v4 =	vsel vm0, v4, v5  }
0x94: {  	v4 =	vxor.u32 $0x80000000, v4  }
0x95: {  	(xrf0) =	vmin.scan.msk.u32 $0xffff, v4;
	_ =	sdelay $0x5  }
0x96: {  	(v2sf) =	vpush v3, $0xF;
	v3, _, _ =	vpop (xrf0)  }
0x97: {  	(v2sf) =	vpush v3, $0xF;
	_ =	sdelay $0x4  }
0x98: {  	s19 =	sadd.s32 $0x3, s19  }
0x99: {  	s20 =	sshll.u32 s19, $0x4  }
0x9a: {  	s19 =	sshll.u32 s19, $0xC;
	s20 =	sand.u32 $0x70, s20  }
0x9b: {  	s19 =	sand.u32 $0xFFF8000, s19;
	s20 =	sadd.s32 s2, s20  }
0x9c: {  	s18 =	sand.u32 $0xE, s18;
	s26 =	sand.u32 $0x7, s17;
	s19 =	sadd.s32 s19, s20  }
0x9d: {  	[tilespmem:s11], [sflag:$0x2] =	stream.strided.gather [hbm4b:s19+s9], $0x8000, s10, s9, $0x38;
	[tilespmem:$0x10080] =	vst v63  }
0x9e: {  	p0 =	sne.s32 s26, $0x7;
	v3 =	vmov s18;
	s18 =	sor.u32 $0x1, s18  }
0x9f: {  	vm14 =	veq.s32 v3, v0;
	v3 =	vmov s18;
	s18 =	sshll.u32 @!p0 s17, $0x1;
	s17 =	sadd.s32 $0x1, s17  }
0xa0: {  	p1 =	sne.s32 s17, $0xB  }
.Ltmp2:
0xa1: {  	s28 =	spop (v2sf);
	(pc) =	sbr.rel @p1 .LBB2_2-.Ltmp2, $4  }
0xa2: {  	s29 =	sxor.u32 $0x80000000, s28;
	s30 =	spop (v2sf)  }
0xa3: {  	v1 =	vsel vm14, s29, v1;
	vm15 =	veq.s32 v3, v0;
	s31 =	sxor.u32 $0x80000000, s30  }
0xa4: {  	s18 =	sand.u32 @!p0 $0x10, s18;
	v1 =	vsel vm15, s31, v1  }
0xa5: {  	[tilespmem:s18+$0x10000] =	vst @!p0 v1  }
0xa6: {  	_ =	swait.ge [sflag:s12], $0x8000  }
0xa7: {  	[sflag:s12] =	ssyncset.done $0x0  }
0xa8: {  	s17 =	simm.s32 $0x80;
	[sflag:s12] =	ssyncadd.s32 $0xFFFF8000  }
0xa9: {  	v2 =	vld [tilespmem:s17+$0xFFFFFF80]  }
0xaa: {  	v3 =	vld [tilespmem:s17+$0x40]  }
0xab: {  	v4 =	vld [tilespmem:s17+$0xFFFFFFC0]  }
0xac: {  	v10 =	vlaneseq.u32;
	v6 =	vimm.f32 $-Inf;
	v5 =	vld [tilespmem:s17+$0x50]  }
0xad: {  	v12 =	vimm.s32 $0x0;
	v8 =	vor.u32 $0x10, v10;
	v9 =	vor.u32 $0x20, v10;
	v18 =	vld [tilespmem:s17+$0x0]  }
0xae: {  	v7 =	vor.u32 $0x30, v10;
	v23 =	vadd.s32 $0xC0, v10;
	v16 =	vadd.s32 $0x40, v10;
	v26 =	vld [tilespmem:s17+$0xFFFFFFA0]  }
0xaf: {  	v19 =	vadd.s32 $0x80, v10;
	v11 =	vadd.s32 $0xC0, v8;
	v25 =	vld [tilespmem:s17+$0xFFFFFF90];
	vm0 =	vgt.f32 v2, v6  }
0xb0: {  	v13 =	vadd.s32 $0xC0, v9;
	v14 =	vadd.s32 $0xC0, v7;
	v28 =	vld [tilespmem:s17+$0xFFFFFFE0];
	v2 =	vsel vm0, v2, v6  }
0xb1: {  	v17 =	vadd.s32 $0x80, v7;
	v24 =	vld [tilespmem:s17+$0xFFFFFFD0];
	v15 =	vsel vm0, v10, v12;
	vm0 =	vgt.f32 v4, v2  }
0xb2: {  	v21 =	vadd.s32 $0x40, v9;
	v22 =	vadd.s32 $0x40, v7;
	v27 =	vld [tilespmem:s17+$0xFFFFFFB0];
	v2 =	vsel vm0, v4, v2  }
0xb3: {  	v29 =	vld [tilespmem:s17+$0x20];
	vm2 =	vgt.f32 v26, v6;
	v4 =	vsel vm0, v16, v15;
	vm0 =	vgt.f32 v18, v2  }
0xb4: {  	vm1 =	vgt.f32 v25, v6;
	v61 =	vsel vm2, v26, v6;
	v2 =	vsel vm0, v18, v2;
	v18 =	vld [tilespmem:s17+$0xFFFFFFF0]  }
0xb5: {  	v20 =	vld [tilespmem:s17+$0x10];
	vm5 =	vgt.f32 v28, v61;
	v4 =	vsel vm0, v19, v4;
	vm0 =	vgt.f32 v3, v2  }
0xb6: {  	v30 =	vld [tilespmem:s17+$0x30];
	v15 =	vadd.s32 $0x80, v8;
	v16 =	vadd.s32 $0x80, v9;
	v2 =	vsel vm0, v3, v2  }
0xb7: {  	v3 =	vsel vm0, v23, v4;
	vm0 =	vgt.f32 v27, v6;
	v4 =	vld [tilespmem:s17+$0x60];
	v23 =	vsel vm1, v25, v6  }
0xb8: {  	v62 =	vld [tilespmem:s17+$0x70];
	v63 =	vsel vm5, v28, v61;
	v6 =	vsel vm0, v27, v6;
	vm4 =	vgt.f32 v24, v23  }
0xb9: {  	vm8 =	vgt.f32 v29, v63;
	v23 =	vsel vm4, v24, v23;
	vm3 =	vgt.f32 v18, v6  }
0xba: {  	v19 =	vadd.s32 $0x40, v8;
	vm7 =	vgt.f32 v20, v23;
	v6 =	vsel vm3, v18, v6  }
0xbb: {  	v18 =	vsel vm7, v20, v23;
	v20 =	vsel vm8, v29, v63;
	vm6 =	vgt.f32 v30, v6  }
0xbc: {  	vm11 =	vgt.f32 v5, v18;
	vm9 =	vgt.f32 v4, v20;
	v23 =	vsel vm6, v30, v6  }
0xbd: {  	v5 =	vsel vm11, v5, v18;
	v6 =	vsel vm9, v4, v20;
	vm10 =	vgt.f32 v62, v23  }
0xbe: {  	s18 =	simm.s32 $0x180;
	s17 =	simm.s32 $0x0;
	v20 =	vimm.s32 $0x0;
	v18 =	vimm.s32 $0x0;
	v4 =	vsel vm10, v62, v23  }
.LBB2_8:
0xbf: {  	v23 =	vld [tilespmem:s18+$0x40];
	v12 =	vsel vm1, v8, v12;
	v20 =	vsel vm2, v9, v20;
	v18 =	vsel vm0, v7, v18  }
0xc0: {  	v24 =	vld [tilespmem:s18+$0xFFFFFF80];
	v12 =	vsel vm4, v19, v12;
	v19 =	vsel vm5, v21, v20;
	v18 =	vsel vm3, v22, v18  }
0xc1: {  	v25 =	vld [tilespmem:s18+$0x50];
	v12 =	vsel vm7, v15, v12;
	v15 =	vsel vm8, v16, v19;
	v16 =	vsel vm6, v17, v18  }
0xc2: {  	v17 =	vld [tilespmem:s18+$0xFFFFFFC0];
	v12 =	vsel vm11, v11, v12;
	v20 =	vsel vm9, v13, v15;
	v18 =	vsel vm10, v14, v16  }
0xc3: {  	v10 =	vadd.s32 $0x100, v10;
	v19 =	vld [tilespmem:s18+$0x0]  }
0xc4: {  	v8 =	vadd.s32 $0x100, v8;
	v9 =	vadd.s32 $0x100, v9;
	v7 =	vadd.s32 $0x100, v7;
	v26 =	vld [tilespmem:s18+$0x10]  }
0xc5: {  	v28 =	vadd.s32 $0xC0, v10;
	v11 =	vadd.s32 $0xC0, v8;
	vm0 =	vgt.f32 v24, v2;
	v27 =	vld [tilespmem:s18+$0xFFFFFFD0]  }
0xc6: {  	v13 =	vadd.s32 $0xC0, v9;
	v2 =	vsel vm0, v24, v2;
	v3 =	vsel vm0, v10, v3;
	v24 =	vld [tilespmem:s18+$0xFFFFFF90]  }
0xc7: {  	v15 =	vadd.s32 $0x40, v10;
	v14 =	vadd.s32 $0xC0, v7;
	v29 =	vld [tilespmem:s18+$0xFFFFFFA0];
	vm0 =	vgt.f32 v17, v2  }
0xc8: {  	s17 =	sadd.s32 $0x4, s17;
	v21 =	vadd.s32 $0x80, v10;
	v30 =	vld [tilespmem:s18+$0xFFFFFFB0];
	v2 =	vsel vm0, v17, v2;
	v3 =	vsel vm0, v15, v3  }
0xc9: {  	p0 =	slt.u32 s17, $0x1FC;
	v16 =	vadd.s32 $0x80, v9;
	v15 =	vadd.s32 $0x80, v8;
	v31 =	vld [tilespmem:s18+$0xFFFFFFE0];
	vm0 =	vgt.f32 v19, v2  }
0xca: {  	v17 =	vadd.s32 $0x80, v7;
	v32 =	vld [tilespmem:s18+$0xFFFFFFF0];
	v2 =	vsel vm0, v19, v2;
	v3 =	vsel vm0, v21, v3  }
0xcb: {  	v19 =	vadd.s32 $0x40, v8;
	v21 =	vadd.s32 $0x40, v9;
	v33 =	vld [tilespmem:s18+$0x20];
	vm0 =	vgt.f32 v23, v2  }
0xcc: {  	v22 =	vadd.s32 $0x40, v7;
	v34 =	vld [tilespmem:s18+$0x30];
	v2 =	vsel vm0, v23, v2;
	v3 =	vsel vm0, v28, v3  }
0xcd: {  	vm1 =	vgt.f32 v24, v5;
	vm2 =	vgt.f32 v29, v6;
	vm0 =	vgt.f32 v30, v4;
	v23 =	vld [tilespmem:s18+$0x60]  }
0xce: {  	v5 =	vsel vm1, v24, v5;
	v6 =	vsel vm2, v29, v6;
	v4 =	vsel vm0, v30, v4;
	v24 =	vld [tilespmem:s18+$0x70]  }
0xcf: {  	vm4 =	vgt.f32 v27, v5;
	vm5 =	vgt.f32 v31, v6;
	vm3 =	vgt.f32 v32, v4  }
.Ltmp3:
0xd0: {  	v5 =	vsel vm4, v27, v5;
	v6 =	vsel vm5, v31, v6;
	v4 =	vsel vm3, v32, v4;
	(pc) =	sbr.rel @p0 .LBB2_8-.Ltmp3, $4  }
0xd1: {  	vm7 =	vgt.f32 v26, v5;
	vm8 =	vgt.f32 v33, v6;
	vm6 =	vgt.f32 v34, v4  }
0xd2: {  	v5 =	vsel vm7, v26, v5;
	v6 =	vsel vm8, v33, v6;
	v4 =	vsel vm6, v34, v4  }
0xd3: {  	vm11 =	vgt.f32 v25, v5;
	vm9 =	vgt.f32 v23, v6;
	vm10 =	vgt.f32 v24, v4  }
0xd4: {  	s18 =	sadd.s32 $0x100, s18;
	v5 =	vsel vm11, v25, v5;
	v6 =	vsel vm9, v23, v6;
	v4 =	vsel vm10, v24, v4  }
0xd5: {  	_ =	swait.ge [sflag:s13], $0x8000  }
0xd6: {  	[sflag:s13] =	ssyncset.done $0x0  }
0xd7: {  	v8 =	vsel vm1, v8, v12;
	v9 =	vsel vm2, v9, v20;
	s17 =	simm.s32 $0x8080;
	[sflag:s13] =	ssyncadd.s32 $0xFFFF8000  }
0xd8: {  	v7 =	vsel vm0, v7, v18;
	v24 =	vimm.f32 $-Inf;
	v8 =	vsel vm4, v19, v8;
	v18 =	vld [tilespmem:s17+$0xFFFFFF80]  }
0xd9: {  	v9 =	vsel vm5, v21, v9;
	v7 =	vsel vm3, v22, v7;
	v8 =	vsel vm7, v15, v8;
	v19 =	vld [tilespmem:s17+$0xFFFFFFC0]  }
0xda: {  	v9 =	vsel vm8, v16, v9;
	v7 =	vsel vm6, v17, v7;
	v17 =	vlaneseq.u32;
	v22 =	vld [tilespmem:s17+$0x0]  }
0xdb: {  	v16 =	vimm.s32 $0x0;
	v12 =	vsel vm11, v11, v8;
	v11 =	vsel vm9, v13, v9;
	v31 =	vld [tilespmem:s17+$0xFFFFFF90]  }
0xdc: {  	v10 =	vsel vm10, v14, v7;
	v7 =	vor.u32 $0x10, v17;
	v8 =	vor.u32 $0x20, v17;
	v33 =	vld [tilespmem:s17+$0xFFFFFFB0]  }
0xdd: {  	v9 =	vor.u32 $0x30, v17;
	v27 =	vadd.s32 $0xC0, v17;
	v28 =	vld [tilespmem:s17+$0xFFFFFFD0];
	v26 =	vadd.s32 $0x40, v17  }
0xde: {  	v21 =	vld [tilespmem:s17+$0x40];
	v30 =	vadd.s32 $0x80, v17;
	v13 =	vadd.s32 $0xC0, v7;
	vm0 =	vgt.f32 v18, v24  }
0xdf: {  	v23 =	vld [tilespmem:s17+$0x50];
	v14 =	vadd.s32 $0xC0, v8;
	v15 =	vadd.s32 $0xC0, v9;
	v18 =	vsel vm0, v18, v24  }
0xe0: {  	v32 =	vld [tilespmem:s17+$0xFFFFFFA0];
	vm2 =	vgt.f32 v31, v24;
	v20 =	vsel vm0, v17, v16;
	vm0 =	vgt.f32 v19, v18  }
0xe1: {  	v25 =	vld [tilespmem:s17+$0x10];
	vm1 =	vgt.f32 v33, v24;
	v31 =	vsel vm2, v31, v24;
	v29 =	vsel vm0, v19, v18  }
0xe2: {  	v34 =	vld [tilespmem:s17+$0xFFFFFFE0];
	vm5 =	vgt.f32 v28, v31;
	v26 =	vsel vm0, v26, v20;
	vm0 =	vgt.f32 v22, v29  }
0xe3: {  	v35 =	vld [tilespmem:s17+$0xFFFFFFF0];
	v19 =	vadd.s32 $0x80, v7;
	v20 =	vadd.s32 $0x80, v8;
	v22 =	vsel vm0, v22, v29  }
0xe4: {  	v37 =	vld [tilespmem:s17+$0x20];
	v28 =	vsel vm5, v28, v31;
	v36 =	vsel vm0, v30, v26;
	vm0 =	vgt.f32 v21, v22  }
0xe5: {  	v38 =	vld [tilespmem:s17+$0x30];
	v21 =	vsel vm0, v21, v22;
	v22 =	vsel vm0, v27, v36;
	vm0 =	vgt.f32 v32, v24  }
0xe6: {  	v18 =	vadd.s32 $0x80, v9;
	vm9 =	vgt.f32 v25, v28;
	v27 =	vld [tilespmem:s17+$0x60];
	v32 =	vsel vm0, v32, v24  }
0xe7: {  	v63 =	vld [tilespmem:s17+$0x70];
	v29 =	vadd.s32 $0x40, v7;
	v24 =	vsel vm1, v33, v24;
	vm6 =	vgt.f32 v34, v32  }
0xe8: {  	v30 =	vadd.s32 $0x40, v8;
	vm3 =	vgt.f32 v35, v24;
	v31 =	vsel vm6, v34, v32  }
0xe9: {  	v26 =	vadd.s32 $0x40, v9;
	v24 =	vsel vm3, v35, v24;
	vm8 =	vgt.f32 v37, v31  }
0xea: {  	v25 =	vsel vm9, v25, v28;
	vm4 =	vgt.f32 v38, v24;
	v28 =	vsel vm8, v37, v31  }
0xeb: {  	vm11 =	vgt.f32 v23, v25;
	v31 =	vsel vm4, v38, v24;
	vm10 =	vgt.f32 v27, v28  }
0xec: {  	v25 =	vsel vm11, v23, v25;
	vm7 =	vgt.f32 v63, v31;
	v24 =	vsel vm10, v27, v28  }
0xed: {  	s18 =	simm.s32 $0x8180;
	s17 =	simm.s32 $0x0;
	v23 =	vsel vm7, v63, v31;
	v27 =	vimm.s32 $0x0;
	v28 =	vimm.s32 $0x0  }
.LBB2_10:
0xee: {  	v31 =	vld [tilespmem:s18+$0x40];
	v16 =	vsel vm2, v7, v16;
	v27 =	vsel vm0, v8, v27;
	v28 =	vsel vm1, v9, v28  }
0xef: {  	v32 =	vld [tilespmem:s18+$0xFFFFFF80];
	v16 =	vsel vm5, v29, v16;
	v27 =	vsel vm6, v30, v27;
	v26 =	vsel vm3, v26, v28  }
0xf0: {  	v33 =	vld [tilespmem:s18+$0x50];
	v16 =	vsel vm9, v19, v16;
	v19 =	vsel vm8, v20, v27;
	v18 =	vsel vm4, v18, v26  }
0xf1: {  	v20 =	vld [tilespmem:s18+$0xFFFFFFC0];
	v16 =	vsel vm11, v13, v16;
	v27 =	vsel vm10, v14, v19;
	v28 =	vsel vm7, v15, v18  }
0xf2: {  	v17 =	vadd.s32 $0x100, v17;
	v26 =	vld [tilespmem:s18+$0x0]  }
0xf3: {  	v7 =	vadd.s32 $0x100, v7;
	v8 =	vadd.s32 $0x100, v8;
	v9 =	vadd.s32 $0x100, v9;
	v34 =	vld [tilespmem:s18+$0x10]  }
0xf4: {  	v36 =	vadd.s32 $0xC0, v17;
	v13 =	vadd.s32 $0xC0, v7;
	vm0 =	vgt.f32 v32, v21;
	v35 =	vld [tilespmem:s18+$0xFFFFFFD0]  }
0xf5: {  	v14 =	vadd.s32 $0xC0, v8;
	v18 =	vsel vm0, v32, v21;
	v19 =	vsel vm0, v17, v22;
	v32 =	vld [tilespmem:s18+$0xFFFFFF90]  }
0xf6: {  	v15 =	vadd.s32 $0xC0, v9;
	v21 =	vadd.s32 $0x40, v17;
	v37 =	vld [tilespmem:s18+$0xFFFFFFA0];
	vm0 =	vgt.f32 v20, v18  }
0xf7: {  	s17 =	sadd.s32 $0x4, s17;
	v29 =	vadd.s32 $0x80, v17;
	v38 =	vld [tilespmem:s18+$0xFFFFFFB0];
	v22 =	vsel vm0, v20, v18;
	v21 =	vsel vm0, v21, v19  }
0xf8: {  	p0 =	slt.u32 s17, $0x1FC;
	v19 =	vadd.s32 $0x80, v7;
	v20 =	vadd.s32 $0x80, v8;
	v39 =	vld [tilespmem:s18+$0xFFFFFFE0];
	vm0 =	vgt.f32 v26, v22  }
0xf9: {  	v18 =	vadd.s32 $0x80, v9;
	v40 =	vld [tilespmem:s18+$0xFFFFFFF0];
	v22 =	vsel vm0, v26, v22;
	v41 =	vsel vm0, v29, v21  }
0xfa: {  	v30 =	vadd.s32 $0x40, v8;
	v29 =	vadd.s32 $0x40, v7;
	v42 =	vld [tilespmem:s18+$0x20];
	vm0 =	vgt.f32 v31, v22  }
0xfb: {  	v26 =	vadd.s32 $0x40, v9;
	v43 =	vld [tilespmem:s18+$0x30];
	v21 =	vsel vm0, v31, v22;
	v22 =	vsel vm0, v36, v41  }
0xfc: {  	vm2 =	vgt.f32 v32, v25;
	vm0 =	vgt.f32 v37, v24;
	vm1 =	vgt.f32 v38, v23;
	v31 =	vld [tilespmem:s18+$0x60]  }
0xfd: {  	v25 =	vsel vm2, v32, v25;
	v24 =	vsel vm0, v37, v24;
	v23 =	vsel vm1, v38, v23;
	v32 =	vld [tilespmem:s18+$0x70]  }
0xfe: {  	vm5 =	vgt.f32 v35, v25;
	vm6 =	vgt.f32 v39, v24;
	vm3 =	vgt.f32 v40, v23  }
.Ltmp4:
0xff: {  	v25 =	vsel vm5, v35, v25;
	v24 =	vsel vm6, v39, v24;
	v23 =	vsel vm3, v40, v23;
	(pc) =	sbr.rel @p0 .LBB2_10-.Ltmp4, $4  }
0x100: {  	vm9 =	vgt.f32 v34, v25;
	vm8 =	vgt.f32 v42, v24;
	vm4 =	vgt.f32 v43, v23  }
0x101: {  	v25 =	vsel vm9, v34, v25;
	v24 =	vsel vm8, v42, v24;
	v23 =	vsel vm4, v43, v23  }
0x102: {  	vm11 =	vgt.f32 v33, v25;
	vm10 =	vgt.f32 v31, v24;
	vm7 =	vgt.f32 v32, v23  }
0x103: {  	s18 =	sadd.s32 $0x100, s18;
	v25 =	vsel vm11, v33, v25;
	v24 =	vsel vm10, v31, v24;
	v23 =	vsel vm7, v32, v23  }
0x104: {  	v17 =	vmax.f32 v2, v5  }
0x105: {  	v17 =	vmax.f32 v17, v6  }
0x106: {  	v17 =	vmax.f32 v17, v4  }
0x107: {  	(xrf0) =	vmax.scan.msk.f32 $0xffff, v17;
	_ =	sdelay $0x5  }
0x108: {  	v17, _, _ =	vpop (xrf0)  }
0x109: {  	v17 =	vbroadcast v17, $0xF  }
0x10a: {  	vm12 =	vlt.s32 v3, $0x40000000  }
0x10b: {  	vm13 =	veq.f32 v2, v17;
	v2 =	vnsel vm12, $0x40000000, v3  }
0x10c: {  	v2 =	vnsel vm13, $0x40000000, v2  }
0x10d: {  	vm12 =	vlt.s32 v2, v12  }
0x10e: {  	vm13 =	veq.f32 v6, v17;
	v3 =	vsel vm12, v2, v12;
	vm12 =	veq.f32 v5, v17  }
0x10f: {  	v2 =	vsel vm12, v3, v2;
	v3 =	vnsel vm13, $0x40000000, v11  }
0x110: {  	vm13 =	veq.f32 v4, v17;
	vm12 =	vlt.s32 v2, v3  }
0x111: {  	v2 =	vsel vm12, v2, v3;
	v3 =	vnsel vm13, $0x40000000, v10  }
0x112: {  	vm12 =	vlt.s32 v2, v3  }
0x113: {  	v2 =	vsel vm12, v2, v3;
	v3 =	vmax.f32 v21, v25  }
0x114: {  	v2 =	vxor.u32 $0x80000000, v2;
	v3 =	vmax.f32 v3, v24  }
0x115: {  	(xrf0) =	vmin.scan.msk.u32 $0xffff, v2;
	v2 =	vmax.f32 v3, v23  }
0x116: {  	(xrf0) =	vmax.scan.msk.f32 $0xffff, v2;
	_ =	sdelay $0x4  }
0x117: {  	v2, _, _ =	vpop (xrf0)  }
0x118: {  	v61 =	vsel vm0, v8, v27;
	v60, _, _ =	vpop (xrf0)  }
0x119: {  	v62 =	vsel vm1, v9, v28;
	v3 =	vsel vm2, v7, v16;
	v4 =	vbroadcast v60, $0xF  }
0x11a: {  	v5 =	vsel vm6, v30, v61;
	vm6 =	vlt.s32 v22, $0x40000000;
	v3 =	vsel vm5, v29, v3  }
0x11b: {  	v63 =	vnsel vm6, $0x40000000, v22;
	v3 =	vsel vm9, v19, v3;
	vm9 =	veq.f32 v21, v4  }
0x11c: {  	v5 =	vsel vm8, v20, v5;
	v3 =	vsel vm11, v13, v3;
	v7 =	vnsel vm9, $0x40000000, v63  }
0x11d: {  	v6 =	vsel vm3, v26, v62;
	v5 =	vsel vm10, v14, v5;
	vm10 =	vlt.s32 v7, v3  }
0x11e: {  	vm11 =	veq.f32 v25, v4;
	vm12 =	veq.f32 v24, v4;
	v3 =	vsel vm10, v7, v3  }
0x11f: {  	v6 =	vsel vm4, v18, v6;
	v5 =	vnsel vm12, $0x40000000, v5;
	v3 =	vsel vm11, v3, v7  }
0x120: {  	v6 =	vsel vm7, v15, v6;
	vm13 =	veq.f32 v23, v4;
	vm0 =	vlt.s32 v3, v5  }
0x121: {  	v4 =	vnsel vm13, $0x40000000, v6;
	v3 =	vsel vm0, v3, v5  }
0x122: {  	vm0 =	vlt.s32 v3, v4  }
0x123: {  	v3 =	vsel vm0, v3, v4  }
0x124: {  	v3 =	vxor.u32 $0x80000000, v3  }
0x125: {  	(xrf0) =	vmin.scan.msk.u32 $0xffff, v3;
	_ =	sdelay $0x5  }
0x126: {  	(v2sf) =	vpush v2, $0xF;
	v2, _, _ =	vpop (xrf0)  }
0x127: {  	(v2sf) =	vpush v2, $0xF;
	_ =	sdelay $0xd  }
0x128: {  	s17 =	spop (v2sf)  }
0x129: {  	vm14 =	veq.s32 v0, $0x6;
	s17 =	sxor.u32 $0x80000000, s17;
	s18 =	spop (v2sf)  }
0x12a: {  	vm15 =	veq.s32 v0, $0x7;
	s16 =	sadd.s32 $0x1, s16;
	v1 =	vsel vm14, s17, v1;
	s31 =	sxor.u32 $0x80000000, s18  }
0x12b: {  	p0 =	sne.s32 s16, s8;
	v1 =	vsel vm15, s31, v1  }
.Ltmp5:
0x12c: {  	[tilespmem:$0x10010] =	vst v1;
	(pc) =	sbr.rel @p0 .LBB2_1-.Ltmp5, $4  }
0x12d: {  	[hbm4b:s7+s3] =	stream.linear.scatter [tilespmem:s14], [sflag:$0x3], $0x18, $0x38;
	[tilespmem:$0x10080] =	vst v63  }
0x12e: {  	_ =	swait.ge [sflag:s15], $0x18  }
0x12f: {  	[sflag:s15] =	ssyncset.done $0x0  }
0x130: {  	[sflag:s15] =	ssyncadd.s32 $0xFFFFFFE8  }
0x131: {  	_ =	sfence.sel $0x180000  }
0x132: {  	[bflag:$0x0] =	sbarrier.arrive $0xFFFF  }
0x133: {  	p0 =	sne.s32 s0, $0x0;
	_ =	strace $0x90000047  }
0x134: {  	s0 =	sadd.s32 @!p0 $0x100000, s1;
	[bflag:$0x2] =	sbarrier.arrive $0xFFFF  }
0x135: {  	[sflag:s0] =	ssyncadd.tile.s32 @!p0 $0x1;
	_ =	shalt  }
.Lfunc_end2:
_tile_overlayer_lowered:
.L_overlay_start_2:
0x136: {  	(tag) =	ssettag $0x2  }
0x137: {  	s0 =	rddreg [dreg:$0x0];
	s2 =	stileid.u32  }
0x138: {  	s1 =	rddreg [dreg:$0x1];
	p0 =	sne.s32 s2, $0x0  }
0x139: {  	s3 =	rddreg [dreg:$0x2];
	[bflag:$0x3] =	sbarrier.arrive $0xFFFF;
	s2 =	simm.s32 @!p0 $0x1C03  }
0x13a: {  	[timem:s3], [sflag:s2] =	dma.local @!p0 [hbm:s0], s1  }
0x13b: {  	s0 =	simm.s32 @!p0 $0x3  }
0x13c: {  	_ =	swait.ge @!p0 [sflag:s0], s1  }
0x13d: {  	s1 =	ssub.s32 @!p0 $0x0, s1;
	[sflag:s0] =	ssyncset.done @!p0 $0x0  }
0x13e: {  	[sflag:s0] =	ssyncadd.s32 @!p0 s1  }
0x13f: {  	[bflag:$0x3] =	sbarrier.arrive $0xFFFF  }
0x140: {  	_ =	shalt  }

</sc_bundles>
